<compile_context>
chip_gen: v7x
topology: tpu7x:2x2x1
jax: 0.10.2.dev20260603
libtpu: 0.0.44.dev20260713+nightly
codegen_flags: <defaults>
</compile_context>

<pallas_src>
import functools

import jax
import jax.numpy as jnp
from jax import lax
from jax.experimental import pallas as pl
from jax.experimental.pallas import tpu as pltpu
from jax.experimental.pallas import tpu_sc as plsc

_TOP_K = 2
_ROUTED_SCALING = 1.0
_BF = 1024

_T = 32
_E = 16


def _router_tc_kernel(x_ref, rw_ref, bias_ref, scores_ref, biased_ref):
    logits = jax.lax.dot_general(
        x_ref[...], rw_ref[...], (((1,), (1,)), ((), ())),
        preferred_element_type=jnp.float32)
    m = jnp.max(logits, axis=1, keepdims=True)
    ex = jnp.exp(logits - m)
    scores = ex / jnp.sum(ex, axis=1, keepdims=True)
    scores_ref[...] = scores
    biased_ref[...] = scores + bias_ref[...]


def _router_sc_body(scores_hbm, biased_hbm, out_hbm, sc_v, bi_v, comb_v, red_v):
    nc = 2
    t = lax.axis_index("s") * nc + lax.axis_index("c")
    pltpu.sync_copy(scores_hbm.at[pl.ds(t * _E, _E)], sc_v)
    pltpu.sync_copy(biased_hbm.at[pl.ds(t * _E, _E)], bi_v)

    lane = lax.iota(jnp.int32, 16)

    def _allred(v, op):
        for sh in (1, 2, 4, 8):
            red_v[...] = v
            v = op(v, plsc.load_gather(red_v, [lane ^ sh]))
        return v

    scores = sc_v[...]
    biased = bi_v[...]
    lane_f = lane.astype(jnp.float32)
    m1 = _allred(biased, jnp.maximum)
    i1 = _allred(jnp.where(biased == m1, lane_f, 16.0), jnp.minimum)
    sel1 = lane_f == i1
    masked = jnp.where(sel1, -jnp.inf, biased)
    m2 = _allred(masked, jnp.maximum)
    i2 = _allred(jnp.where(masked == m2, lane_f, 16.0), jnp.minimum)
    sel2 = lane_f == i2
    comb_v[...] = jnp.where(sel1 | sel2, scores, 0.0) * _ROUTED_SCALING
    pltpu.sync_copy(comb_v, out_hbm.at[pl.ds(t * _E, _E)])


def _router_sc(scores_flat, biased_flat):
    mesh = plsc.VectorSubcoreMesh(core_axis_name="c", subcore_axis_name="s")
    fn = functools.partial(
        pl.kernel,
        out_type=jax.ShapeDtypeStruct((_T * _E,), jnp.float32),
        mesh=mesh,
        scratch_types=[
            pltpu.VMEM((_E,), jnp.float32),
            pltpu.VMEM((_E,), jnp.float32),
            pltpu.VMEM((_E,), jnp.float32),
            pltpu.VMEM((16,), jnp.float32),
        ],
        compiler_params=pltpu.CompilerParams(needs_layout_passes=False),
    )(_router_sc_body)
    return fn(scores_flat, biased_flat)


def _moe_tc_kernel(x_ref, wg_ref, wu_ref, wd_ref, eo_ref):
    f = pl.program_id(1)

    @pl.when(f == 0)
    def _init():
        eo_ref[...] = jnp.zeros_like(eo_ref)

    x = x_ref[...]
    xg = jnp.dot(x, wg_ref[0], preferred_element_type=jnp.float32)
    xu = jnp.dot(x, wu_ref[0], preferred_element_type=jnp.float32)
    h = (xg * jax.nn.sigmoid(xg)) * xu
    eo_ref[0] += jnp.dot(h, wd_ref[0], preferred_element_type=jnp.float32)


def _combine_tc_kernel(eo_ref, comb_ref, out_ref):
    T, E = comb_ref.shape
    comb = comb_ref[...]
    eidx = jax.lax.broadcasted_iota(jnp.int32, (T, E), 1)
    acc = jnp.zeros_like(out_ref)
    for e in range(_E):
        ccol = jnp.sum(jnp.where(eidx == e, comb, 0.0), axis=1, keepdims=True)
        acc = acc + ccol * eo_ref[e]
    out_ref[...] = acc


def kernel(hidden_states, router_w, correction_bias, w_gate, w_up, w_down):
    T, H = hidden_states.shape
    E, _, I = w_gate.shape
    nf = I // _BF
    bias2d = correction_bias.reshape(1, E)

    scores, biased = pl.pallas_call(
        _router_tc_kernel,
        in_specs=[
            pl.BlockSpec((T, H), lambda: (0, 0)),
            pl.BlockSpec((E, H), lambda: (0, 0)),
            pl.BlockSpec((1, E), lambda: (0, 0)),
        ],
        out_specs=[
            pl.BlockSpec((T, E), lambda: (0, 0)),
            pl.BlockSpec((T, E), lambda: (0, 0)),
        ],
        out_shape=[
            jax.ShapeDtypeStruct((T, E), jnp.float32),
            jax.ShapeDtypeStruct((T, E), jnp.float32),
        ],
    )(hidden_states, router_w, bias2d)

    combine = _router_sc(scores.reshape(T * E), biased.reshape(T * E))
    combine = combine.reshape(T, E)

    eo = pl.pallas_call(
        _moe_tc_kernel,
        grid=(E, nf),
        in_specs=[
            pl.BlockSpec((T, H), lambda e, f: (0, 0)),
            pl.BlockSpec((1, H, _BF), lambda e, f: (e, 0, f)),
            pl.BlockSpec((1, H, _BF), lambda e, f: (e, 0, f)),
            pl.BlockSpec((1, _BF, H), lambda e, f: (e, f, 0)),
        ],
        out_specs=pl.BlockSpec((1, T, H), lambda e, f: (e, 0, 0)),
        out_shape=jax.ShapeDtypeStruct((E, T, H), jnp.float32),
        compiler_params=pltpu.CompilerParams(
            dimension_semantics=("arbitrary", "arbitrary"),
        ),
    )(hidden_states, w_gate, w_up, w_down)

    return pl.pallas_call(
        _combine_tc_kernel,
        in_specs=[
            pl.BlockSpec((E, T, H), lambda: (0, 0, 0)),
            pl.BlockSpec((T, E), lambda: (0, 0)),
        ],
        out_specs=pl.BlockSpec((T, H), lambda: (0, 0)),
        out_shape=jax.ShapeDtypeStruct((T, H), jnp.float32),
    )(eo, combine)

# --- scband reference (transcript-rebuilt; emitter-appended) ---
"""Pipeline reference for scband-longcat-moe-60129542614 (READ-ONLY COPY).

The authoritative reference and input builder live on the scoring server;
editing this copy changes nothing except your own understanding.
"""

import jax, jax.numpy as jnp
import numpy as np

NUM_TOKENS = 32
HIDDEN = 1024
INTER = 2048
NUM_EXPERTS = 16
TOP_K = 2
ROUTED_SCALING = 1.0


def setup_inputs(seed: int = 0) -> dict:
    key = jax.random.key(seed)
    k0, k1, k2, k3, k4 = jax.random.split(key, 5)
    hidden_states = jax.random.normal(k0, (NUM_TOKENS, HIDDEN), dtype=jnp.float32)
    # Router classifier weight (fp32, no bias) -- ReplicatedLinear
    router_w = jax.random.normal(k1, (NUM_EXPERTS, HIDDEN), dtype=jnp.float32) * 0.02
    # e_score_correction_bias (initialized to zeros in the module, keep zeros)
    correction_bias = jnp.zeros((NUM_EXPERTS,), dtype=jnp.float32)
    # FusedMoE expert weights: gate, up, down projections per expert
    w_gate = jax.random.normal(k2, (NUM_EXPERTS, HIDDEN, INTER), dtype=jnp.float32) * 0.02
    w_up = jax.random.normal(k3, (NUM_EXPERTS, HIDDEN, INTER), dtype=jnp.float32) * 0.02
    w_down = jax.random.normal(k4, (NUM_EXPERTS, INTER, HIDDEN), dtype=jnp.float32) * 0.02
    return {
        "hidden_states": hidden_states,
        "router_w": router_w,
        "correction_bias": correction_bias,
        "w_gate": w_gate,
        "w_up": w_up,
        "w_down": w_down,
    }


def reference(hidden_states, router_w, correction_bias, w_gate, w_up, w_down):
    T, d = hidden_states.shape
    E = router_w.shape[0]
    # Router: logits in fp32
    logits = hidden_states.astype(jnp.float32) @ router_w.T  # [T, E]
    scores = jax.nn.softmax(logits, axis=-1)
    # Top-k selection on bias-corrected scores; gate weights from original scores
    biased = scores + correction_bias[None, :]
    _, topk_idx = jax.lax.top_k(biased, TOP_K)  # [T, K]
    topk_w = jnp.take_along_axis(scores, topk_idx, axis=1)  # renormalize=False
    topk_w = topk_w * ROUTED_SCALING
    # Combine weights [T, E] via scatter-add (SparseCore-friendly)
    combine = jnp.zeros((T, E), dtype=jnp.float32).at[
        jnp.arange(T)[:, None], topk_idx
    ].add(topk_w)
    # Expert computation (dense over experts, masked combine)
    xg = jnp.einsum("td,edf->etf", hidden_states, w_gate)
    xu = jnp.einsum("td,edf->etf", hidden_states, w_up)
    h = jax.nn.silu(xg) * xu
    eo = jnp.einsum("etf,efd->etd", h, w_down)  # [E, T, d]
    out = jnp.einsum("etd,te->td", eo, combine)
    return out.reshape(T, d)

if __name__ == "__main__":
    import jax
    _d = setup_inputs()
    print(jax.jit(kernel)(*tuple(_d.values())))

</pallas_src>

<mosaic_0001>
#map = affine_map<(d0, d1) -> (0)>
module attributes {stable_mosaic.version = 14 : i64} {
  func.func @_router_sc_body(%arg0: i32, %arg1: i32, %arg2: memref<512xf32, #tpu.memory_space<hbm>>, %arg3: memref<512xf32, #tpu.memory_space<hbm>>, %arg4: memref<512xf32, #tpu.memory_space<hbm>>, %arg5: memref<16xf32, #tpu.memory_space<vmem>>, %arg6: memref<16xf32, #tpu.memory_space<vmem>>, %arg7: memref<16xf32, #tpu.memory_space<vmem>>, %arg8: memref<16xf32, #tpu.memory_space<vmem>>) attributes {dimension_semantics = [#tpu.dimension_semantics<core_parallel>, #tpu.dimension_semantics<subcore_parallel>], iteration_bounds = array<i64: 2, 16>, scalar_prefetch = 0 : i64, scratch_operands = 4 : i64, tpu.core_type = #tpu.core_type<sc_vector_subcore>, window_params = [{transform_indices = #map}, {transform_indices = #map}, {transform_indices = #map}]} {
    %mul3A = arith.constant 2 : i32
    %mul3A_0 = arith.muli %arg1, %mul3A : i32
    %add3A = arith.addi %mul3A_0, %arg0 : i32
    %mul3A_1 = arith.constant 16 : i32
    %mul3A_2 = arith.muli %add3A, %mul3A_1 : i32
    "tpu.region"() ({
      %run_scoped3A = tpu.sem_alloc : memref<!tpu.dma_semaphore, #tpu.memory_space<semaphore_mem>>
      %dma_start3A = tpu.memref_slice %arg2[%mul3A_2] : memref<512xf32, #tpu.memory_space<hbm>> -> memref<16xf32, #tpu.memory_space<hbm>>
      %dma_start3A_134 = tpu.memref_slice %arg2[%mul3A_2] : memref<512xf32, #tpu.memory_space<hbm>> -> memref<16xf32, #tpu.memory_space<hbm>>
      tpu.enqueue_dma source(%dma_start3A_134 : memref<16xf32, #tpu.memory_space<hbm>>) target(%arg5 : memref<16xf32, #tpu.memory_space<vmem>>) target_semaphore(%run_scoped3A : memref<!tpu.dma_semaphore, #tpu.memory_space<semaphore_mem>>)
      %dma_wait3A = tpu.memref_slice %arg2[%mul3A_2] : memref<512xf32, #tpu.memory_space<hbm>> -> memref<16xf32, #tpu.memory_space<hbm>>
      %dma_wait3A_135 = tpu.memref_slice %arg2[%mul3A_2] : memref<512xf32, #tpu.memory_space<hbm>> -> memref<16xf32, #tpu.memory_space<hbm>>
      tpu.wait_dma2 semaphore(%run_scoped3A : memref<!tpu.dma_semaphore, #tpu.memory_space<semaphore_mem>>) src(%dma_wait3A_135 : memref<16xf32, #tpu.memory_space<hbm>>) dst(%arg5 : memref<16xf32, #tpu.memory_space<vmem>>)
      tpu.yield
    }) : () -> ()
    %mul3A_3 = arith.constant 16 : i32
    %mul3A_4 = arith.muli %add3A, %mul3A_3 : i32
    "tpu.region"() ({
      %run_scoped3A = tpu.sem_alloc : memref<!tpu.dma_semaphore, #tpu.memory_space<semaphore_mem>>
      %dma_start3A = tpu.memref_slice %arg3[%mul3A_4] : memref<512xf32, #tpu.memory_space<hbm>> -> memref<16xf32, #tpu.memory_space<hbm>>
      %dma_start3A_134 = tpu.memref_slice %arg3[%mul3A_4] : memref<512xf32, #tpu.memory_space<hbm>> -> memref<16xf32, #tpu.memory_space<hbm>>
      tpu.enqueue_dma source(%dma_start3A_134 : memref<16xf32, #tpu.memory_space<hbm>>) target(%arg6 : memref<16xf32, #tpu.memory_space<vmem>>) target_semaphore(%run_scoped3A : memref<!tpu.dma_semaphore, #tpu.memory_space<semaphore_mem>>)
      %dma_wait3A = tpu.memref_slice %arg3[%mul3A_4] : memref<512xf32, #tpu.memory_space<hbm>> -> memref<16xf32, #tpu.memory_space<hbm>>
      %dma_wait3A_135 = tpu.memref_slice %arg3[%mul3A_4] : memref<512xf32, #tpu.memory_space<hbm>> -> memref<16xf32, #tpu.memory_space<hbm>>
      tpu.wait_dma2 semaphore(%run_scoped3A : memref<!tpu.dma_semaphore, #tpu.memory_space<semaphore_mem>>) src(%dma_wait3A_135 : memref<16xf32, #tpu.memory_space<hbm>>) dst(%arg6 : memref<16xf32, #tpu.memory_space<vmem>>)
      tpu.yield
    }) : () -> ()
    %iota3A = tpu.iota {dimensions = array<i32: 0>} : vector<16xi32>
    %get3A = arith.constant 0 : index
    %get3A_5 = tpu.vector_load %arg5[%get3A] {strides = array<i32>} : memref<16xf32, #tpu.memory_space<vmem>>, vector<16xf32>,
    %get3A_6 = arith.constant 0 : index
    %get3A_7 = tpu.vector_load %arg6[%get3A_6] {strides = array<i32>} : memref<16xf32, #tpu.memory_space<vmem>>, vector<16xf32>,
    %convert_element_type3A = arith.sitofp %iota3A : vector<16xi32> to vector<16xf32>
    %swap3A = arith.constant 0 : index
    %swap3A_8 = tpu.vector_load %arg8[%swap3A] {strides = array<i32>} : memref<16xf32, #tpu.memory_space<vmem>>, vector<16xf32>,
    tpu.vector_store %arg8[%swap3A], %get3A_7 {strides = array<i32>} : memref<16xf32, #tpu.memory_space<vmem>>, vector<16xf32>,
    %xor3A = arith.constant 1 : i32
    %xor3A_9 = vector.broadcast %xor3A : i32 to vector<16xi32>
    %xor3A_10 = arith.xori %iota3A, %xor3A_9 : vector<16xi32>
    %gather3A = tpu.vector_load_idx %arg8[%xor3A_10] : memref<16xf32, #tpu.memory_space<vmem>>[vector<16xi32>], vector<16xf32>,
    %max3A = arith.maximumf %get3A_7, %gather3A : vector<16xf32>
    %swap3A_11 = arith.constant 0 : index
    %swap3A_12 = tpu.vector_load %arg8[%swap3A_11] {strides = array<i32>} : memref<16xf32, #tpu.memory_space<vmem>>, vector<16xf32>,
    tpu.vector_store %arg8[%swap3A_11], %max3A {strides = array<i32>} : memref<16xf32, #tpu.memory_space<vmem>>, vector<16xf32>,
    %xor3A_13 = arith.constant 2 : i32
    %xor3A_14 = vector.broadcast %xor3A_13 : i32 to vector<16xi32>
    %xor3A_15 = arith.xori %iota3A, %xor3A_14 : vector<16xi32>
    %gather3A_16 = tpu.vector_load_idx %arg8[%xor3A_15] : memref<16xf32, #tpu.memory_space<vmem>>[vector<16xi32>], vector<16xf32>,
    %max3A_17 = arith.maximumf %max3A, %gather3A_16 : vector<16xf32>
    %swap3A_18 = arith.constant 0 : index
    %swap3A_19 = tpu.vector_load %arg8[%swap3A_18] {strides = array<i32>} : memref<16xf32, #tpu.memory_space<vmem>>, vector<16xf32>,
    tpu.vector_store %arg8[%swap3A_18], %max3A_17 {strides = array<i32>} : memref<16xf32, #tpu.memory_space<vmem>>, vector<16xf32>,
    %xor3A_20 = arith.constant 4 : i32
    %xor3A_21 = vector.broadcast %xor3A_20 : i32 to vector<16xi32>
    %xor3A_22 = arith.xori %iota3A, %xor3A_21 : vector<16xi32>
    %gather3A_23 = tpu.vector_load_idx %arg8[%xor3A_22] : memref<16xf32, #tpu.memory_space<vmem>>[vector<16xi32>], vector<16xf32>,
    %max3A_24 = arith.maximumf %max3A_17, %gather3A_23 : vector<16xf32>
    %swap3A_25 = arith.constant 0 : index
    %swap3A_26 = tpu.vector_load %arg8[%swap3A_25] {strides = array<i32>} : memref<16xf32, #tpu.memory_space<vmem>>, vector<16xf32>,
    tpu.vector_store %arg8[%swap3A_25], %max3A_24 {strides = array<i32>} : memref<16xf32, #tpu.memory_space<vmem>>, vector<16xf32>,
    %xor3A_27 = arith.constant 8 : i32
    %xor3A_28 = vector.broadcast %xor3A_27 : i32 to vector<16xi32>
    %xor3A_29 = arith.xori %iota3A, %xor3A_28 : vector<16xi32>
    %gather3A_30 = tpu.vector_load_idx %arg8[%xor3A_29] : memref<16xf32, #tpu.memory_space<vmem>>[vector<16xi32>], vector<16xf32>,
    %max3A_31 = arith.maximumf %max3A_24, %gather3A_30 : vector<16xf32>
    %eq3A = arith.cmpf oeq, %get3A_7, %max3A_31 : vector<16xf32>
    %jit3A = arith.constant 1.600000e+01 : f32
    %broadcast_in_dim3A = vector.broadcast %jit3A : f32 to vector<16xf32>
    %select_n3A = arith.select %eq3A, %convert_element_type3A, %broadcast_in_dim3A : vector<16xi1>, vector<16xf32>
    %swap3A_32 = arith.constant 0 : index
    %swap3A_33 = tpu.vector_load %arg8[%swap3A_32] {strides = array<i32>} : memref<16xf32, #tpu.memory_space<vmem>>, vector<16xf32>,
    tpu.vector_store %arg8[%swap3A_32], %select_n3A {strides = array<i32>} : memref<16xf32, #tpu.memory_space<vmem>>, vector<16xf32>,
    %xor3A_34 = arith.constant 1 : i32
    %xor3A_35 = vector.broadcast %xor3A_34 : i32 to vector<16xi32>
    %xor3A_36 = arith.xori %iota3A, %xor3A_35 : vector<16xi32>
    %gather3A_37 = tpu.vector_load_idx %arg8[%xor3A_36] : memref<16xf32, #tpu.memory_space<vmem>>[vector<16xi32>], vector<16xf32>,
    %min3A = arith.minimumf %select_n3A, %gather3A_37 : vector<16xf32>
    %swap3A_38 = arith.constant 0 : index
    %swap3A_39 = tpu.vector_load %arg8[%swap3A_38] {strides = array<i32>} : memref<16xf32, #tpu.memory_space<vmem>>, vector<16xf32>,
    tpu.vector_store %arg8[%swap3A_38], %min3A {strides = array<i32>} : memref<16xf32, #tpu.memory_space<vmem>>, vector<16xf32>,
    %xor3A_40 = arith.constant 2 : i32
    %xor3A_41 = vector.broadcast %xor3A_40 : i32 to vector<16xi32>
    %xor3A_42 = arith.xori %iota3A, %xor3A_41 : vector<16xi32>
    %gather3A_43 = tpu.vector_load_idx %arg8[%xor3A_42] : memref<16xf32, #tpu.memory_space<vmem>>[vector<16xi32>], vector<16xf32>,
    %min3A_44 = arith.minimumf %min3A, %gather3A_43 : vector<16xf32>
    %swap3A_45 = arith.constant 0 : index
    %swap3A_46 = tpu.vector_load %arg8[%swap3A_45] {strides = array<i32>} : memref<16xf32, #tpu.memory_space<vmem>>, vector<16xf32>,
    tpu.vector_store %arg8[%swap3A_45], %min3A_44 {strides = array<i32>} : memref<16xf32, #tpu.memory_space<vmem>>, vector<16xf32>,
    %xor3A_47 = arith.constant 4 : i32
    %xor3A_48 = vector.broadcast %xor3A_47 : i32 to vector<16xi32>
    %xor3A_49 = arith.xori %iota3A, %xor3A_48 : vector<16xi32>
    %gather3A_50 = tpu.vector_load_idx %arg8[%xor3A_49] : memref<16xf32, #tpu.memory_space<vmem>>[vector<16xi32>], vector<16xf32>,
    %min3A_51 = arith.minimumf %min3A_44, %gather3A_50 : vector<16xf32>
    %swap3A_52 = arith.constant 0 : index
    %swap3A_53 = tpu.vector_load %arg8[%swap3A_52] {strides = array<i32>} : memref<16xf32, #tpu.memory_space<vmem>>, vector<16xf32>,
    tpu.vector_store %arg8[%swap3A_52], %min3A_51 {strides = array<i32>} : memref<16xf32, #tpu.memory_space<vmem>>, vector<16xf32>,
    %xor3A_54 = arith.constant 8 : i32
    %xor3A_55 = vector.broadcast %xor3A_54 : i32 to vector<16xi32>
    %xor3A_56 = arith.xori %iota3A, %xor3A_55 : vector<16xi32>
    %gather3A_57 = tpu.vector_load_idx %arg8[%xor3A_56] : memref<16xf32, #tpu.memory_space<vmem>>[vector<16xi32>], vector<16xf32>,
    %min3A_58 = arith.minimumf %min3A_51, %gather3A_57 : vector<16xf32>
    %eq3A_59 = arith.cmpf oeq, %convert_element_type3A, %min3A_58 : vector<16xf32>
    %jit3A_60 = arith.constant 0xFF800000 : f32
    %broadcast_in_dim3A_61 = vector.broadcast %jit3A_60 : f32 to vector<16xf32>
    %select_n3A_62 = arith.select %eq3A_59, %broadcast_in_dim3A_61, %get3A_7 : vector<16xi1>, vector<16xf32>
    %swap3A_63 = arith.constant 0 : index
    %swap3A_64 = tpu.vector_load %arg8[%swap3A_63] {strides = array<i32>} : memref<16xf32, #tpu.memory_space<vmem>>, vector<16xf32>,
    tpu.vector_store %arg8[%swap3A_63], %select_n3A_62 {strides = array<i32>} : memref<16xf32, #tpu.memory_space<vmem>>, vector<16xf32>,
    %xor3A_65 = arith.constant 1 : i32
    %xor3A_66 = vector.broadcast %xor3A_65 : i32 to vector<16xi32>
    %xor3A_67 = arith.xori %iota3A, %xor3A_66 : vector<16xi32>
    %gather3A_68 = tpu.vector_load_idx %arg8[%xor3A_67] : memref<16xf32, #tpu.memory_space<vmem>>[vector<16xi32>], vector<16xf32>,
    %max3A_69 = arith.maximumf %select_n3A_62, %gather3A_68 : vector<16xf32>
    %swap3A_70 = arith.constant 0 : index
    %swap3A_71 = tpu.vector_load %arg8[%swap3A_70] {strides = array<i32>} : memref<16xf32, #tpu.memory_space<vmem>>, vector<16xf32>,
    tpu.vector_store %arg8[%swap3A_70], %max3A_69 {strides = array<i32>} : memref<16xf32, #tpu.memory_space<vmem>>, vector<16xf32>,
    %xor3A_72 = arith.constant 2 : i32
    %xor3A_73 = vector.broadcast %xor3A_72 : i32 to vector<16xi32>
    %xor3A_74 = arith.xori %iota3A, %xor3A_73 : vector<16xi32>
    %gather3A_75 = tpu.vector_load_idx %arg8[%xor3A_74] : memref<16xf32, #tpu.memory_space<vmem>>[vector<16xi32>], vector<16xf32>,
    %max3A_76 = arith.maximumf %max3A_69, %gather3A_75 : vector<16xf32>
    %swap3A_77 = arith.constant 0 : index
    %swap3A_78 = tpu.vector_load %arg8[%swap3A_77] {strides = array<i32>} : memref<16xf32, #tpu.memory_space<vmem>>, vector<16xf32>,
    tpu.vector_store %arg8[%swap3A_77], %max3A_76 {strides = array<i32>} : memref<16xf32, #tpu.memory_space<vmem>>, vector<16xf32>,
    %xor3A_79 = arith.constant 4 : i32
    %xor3A_80 = vector.broadcast %xor3A_79 : i32 to vector<16xi32>
    %xor3A_81 = arith.xori %iota3A, %xor3A_80 : vector<16xi32>
    %gather3A_82 = tpu.vector_load_idx %arg8[%xor3A_81] : memref<16xf32, #tpu.memory_space<vmem>>[vector<16xi32>], vector<16xf32>,
    %max3A_83 = arith.maximumf %max3A_76, %gather3A_82 : vector<16xf32>
    %swap3A_84 = arith.constant 0 : index
    %swap3A_85 = tpu.vector_load %arg8[%swap3A_84] {strides = array<i32>} : memref<16xf32, #tpu.memory_space<vmem>>, vector<16xf32>,
    tpu.vector_store %arg8[%swap3A_84], %max3A_83 {strides = array<i32>} : memref<16xf32, #tpu.memory_space<vmem>>, vector<16xf32>,
    %xor3A_86 = arith.constant 8 : i32
    %xor3A_87 = vector.broadcast %xor3A_86 : i32 to vector<16xi32>
    %xor3A_88 = arith.xori %iota3A, %xor3A_87 : vector<16xi32>
    %gather3A_89 = tpu.vector_load_idx %arg8[%xor3A_88] : memref<16xf32, #tpu.memory_space<vmem>>[vector<16xi32>], vector<16xf32>,
    %max3A_90 = arith.maximumf %max3A_83, %gather3A_89 : vector<16xf32>
    %eq3A_91 = arith.cmpf oeq, %select_n3A_62, %max3A_90 : vector<16xf32>
    %jit3A_92 = arith.constant 1.600000e+01 : f32
    %broadcast_in_dim3A_93 = vector.broadcast %jit3A_92 : f32 to vector<16xf32>
    %select_n3A_94 = arith.select %eq3A_91, %convert_element_type3A, %broadcast_in_dim3A_93 : vector<16xi1>, vector<16xf32>
    %swap3A_95 = arith.constant 0 : index
    %swap3A_96 = tpu.vector_load %arg8[%swap3A_95] {strides = array<i32>} : memref<16xf32, #tpu.memory_space<vmem>>, vector<16xf32>,
    tpu.vector_store %arg8[%swap3A_95], %select_n3A_94 {strides = array<i32>} : memref<16xf32, #tpu.memory_space<vmem>>, vector<16xf32>,
    %xor3A_97 = arith.constant 1 : i32
    %xor3A_98 = vector.broadcast %xor3A_97 : i32 to vector<16xi32>
    %xor3A_99 = arith.xori %iota3A, %xor3A_98 : vector<16xi32>
    %gather3A_100 = tpu.vector_load_idx %arg8[%xor3A_99] : memref<16xf32, #tpu.memory_space<vmem>>[vector<16xi32>], vector<16xf32>,
    %min3A_101 = arith.minimumf %select_n3A_94, %gather3A_100 : vector<16xf32>
    %swap3A_102 = arith.constant 0 : index
    %swap3A_103 = tpu.vector_load %arg8[%swap3A_102] {strides = array<i32>} : memref<16xf32, #tpu.memory_space<vmem>>, vector<16xf32>,
    tpu.vector_store %arg8[%swap3A_102], %min3A_101 {strides = array<i32>} : memref<16xf32, #tpu.memory_space<vmem>>, vector<16xf32>,
    %xor3A_104 = arith.constant 2 : i32
    %xor3A_105 = vector.broadcast %xor3A_104 : i32 to vector<16xi32>
    %xor3A_106 = arith.xori %iota3A, %xor3A_105 : vector<16xi32>
    %gather3A_107 = tpu.vector_load_idx %arg8[%xor3A_106] : memref<16xf32, #tpu.memory_space<vmem>>[vector<16xi32>], vector<16xf32>,
    %min3A_108 = arith.minimumf %min3A_101, %gather3A_107 : vector<16xf32>
    %swap3A_109 = arith.constant 0 : index
    %swap3A_110 = tpu.vector_load %arg8[%swap3A_109] {strides = array<i32>} : memref<16xf32, #tpu.memory_space<vmem>>, vector<16xf32>,
    tpu.vector_store %arg8[%swap3A_109], %min3A_108 {strides = array<i32>} : memref<16xf32, #tpu.memory_space<vmem>>, vector<16xf32>,
    %xor3A_111 = arith.constant 4 : i32
    %xor3A_112 = vector.broadcast %xor3A_111 : i32 to vector<16xi32>
    %xor3A_113 = arith.xori %iota3A, %xor3A_112 : vector<16xi32>
    %gather3A_114 = tpu.vector_load_idx %arg8[%xor3A_113] : memref<16xf32, #tpu.memory_space<vmem>>[vector<16xi32>], vector<16xf32>,
    %min3A_115 = arith.minimumf %min3A_108, %gather3A_114 : vector<16xf32>
    %swap3A_116 = arith.constant 0 : index
    %swap3A_117 = tpu.vector_load %arg8[%swap3A_116] {strides = array<i32>} : memref<16xf32, #tpu.memory_space<vmem>>, vector<16xf32>,
    tpu.vector_store %arg8[%swap3A_116], %min3A_115 {strides = array<i32>} : memref<16xf32, #tpu.memory_space<vmem>>, vector<16xf32>,
    %xor3A_118 = arith.constant 8 : i32
    %xor3A_119 = vector.broadcast %xor3A_118 : i32 to vector<16xi32>
    %xor3A_120 = arith.xori %iota3A, %xor3A_119 : vector<16xi32>
    %gather3A_121 = tpu.vector_load_idx %arg8[%xor3A_120] : memref<16xf32, #tpu.memory_space<vmem>>[vector<16xi32>], vector<16xf32>,
    %min3A_122 = arith.minimumf %min3A_115, %gather3A_121 : vector<16xf32>
    %eq3A_123 = arith.cmpf oeq, %convert_element_type3A, %min3A_122 : vector<16xf32>
    %or3A = arith.ori %eq3A_59, %eq3A_123 : vector<16xi1>
    %jit3A_124 = arith.constant 0.000000e+00 : f32
    %broadcast_in_dim3A_125 = vector.broadcast %jit3A_124 : f32 to vector<16xf32>
    %select_n3A_126 = arith.select %or3A, %get3A_5, %broadcast_in_dim3A_125 : vector<16xi1>, vector<16xf32>
    %mul3A_127 = arith.constant 1.000000e+00 : f32
    %mul3A_128 = vector.broadcast %mul3A_127 : f32 to vector<16xf32>
    %mul3A_129 = arith.mulf %select_n3A_126, %mul3A_128 : vector<16xf32>
    %swap3A_130 = arith.constant 0 : index
    %swap3A_131 = tpu.vector_load %arg7[%swap3A_130] {strides = array<i32>} : memref<16xf32, #tpu.memory_space<vmem>>, vector<16xf32>,
    tpu.vector_store %arg7[%swap3A_130], %mul3A_129 {strides = array<i32>} : memref<16xf32, #tpu.memory_space<vmem>>, vector<16xf32>,
    %mul3A_132 = arith.constant 16 : i32
    %mul3A_133 = arith.muli %add3A, %mul3A_132 : i32
    "tpu.region"() ({
      %run_scoped3A = tpu.sem_alloc : memref<!tpu.dma_semaphore, #tpu.memory_space<semaphore_mem>>
      %dma_start3A = tpu.memref_slice %arg4[%mul3A_133] : memref<512xf32, #tpu.memory_space<hbm>> -> memref<16xf32, #tpu.memory_space<hbm>>
      %dma_start3A_134 = tpu.memref_slice %arg4[%mul3A_133] : memref<512xf32, #tpu.memory_space<hbm>> -> memref<16xf32, #tpu.memory_space<hbm>>
      tpu.enqueue_dma source(%arg7 : memref<16xf32, #tpu.memory_space<vmem>>) target(%dma_start3A_134 : memref<16xf32, #tpu.memory_space<hbm>>) target_semaphore(%run_scoped3A : memref<!tpu.dma_semaphore, #tpu.memory_space<semaphore_mem>>)
      %dma_wait3A = tpu.memref_slice %arg4[%mul3A_133] : memref<512xf32, #tpu.memory_space<hbm>> -> memref<16xf32, #tpu.memory_space<hbm>>
      %dma_wait3A_135 = tpu.memref_slice %arg4[%mul3A_133] : memref<512xf32, #tpu.memory_space<hbm>> -> memref<16xf32, #tpu.memory_space<hbm>>
      tpu.wait_dma2 semaphore(%run_scoped3A : memref<!tpu.dma_semaphore, #tpu.memory_space<semaphore_mem>>) src(%arg7 : memref<16xf32, #tpu.memory_space<vmem>>) dst(%dma_wait3A_135 : memref<16xf32, #tpu.memory_space<hbm>>)
      tpu.yield
    }) : () -> ()
    return
  }
}

module attributes {stable_mosaic.version = 14 : i64} {
  func.func @_moe_tc_kernel(%arg0: i32, %arg1: i32, %arg2: memref<32x1024xf32, #tpu.memory_space<vmem>>, %arg3: memref<1x1024x1024xf32, #tpu.memory_space<vmem>>, %arg4: memref<1x1024x1024xf32, #tpu.memory_space<vmem>>, %arg5: memref<1x1024x1024xf32, #tpu.memory_space<vmem>>, %arg6: memref<1x32x1024xf32, #tpu.memory_space<vmem>>) attributes {dimension_semantics = [#tpu.dimension_semantics<arbitrary>, #tpu.dimension_semantics<arbitrary>], iteration_bounds = array<i64: 16, 2>, scalar_prefetch = 0 : i64, scratch_operands = 0 : i64, tpu.core_type = #tpu.core_type<tc>, window_params = [{pipeline_mode = #tpu.pipeline_mode<synchronous>, transform_indices = @transform_0, window_bounds = array<i64: 32, 1024>}, {transform_indices = @transform_1, window_bounds = array<i64: 1, 1024, 1024>}, {transform_indices = @transform_2, window_bounds = array<i64: 1, 1024, 1024>}, {transform_indices = @transform_3, window_bounds = array<i64: 1, 1024, 1024>}, {transform_indices = @transform_4, window_bounds = array<i64: 1, 32, 1024>}]} {
    %eq3A = arith.constant 0 : i32
    %eq3A_0 = arith.cmpi eq, %arg1, %eq3A : i32
    %convert_element_type3A = arith.extui %eq3A_0 : i1 to i32
    %cond3A = arith.constant 0 : i32
    %cond3A_1 = arith.cmpi ne, %convert_element_type3A, %cond3A : i32
    scf.if %cond3A_1 {
      %broadcast_in_dim3A = arith.constant 0.000000e+00 : f32
      %broadcast_in_dim3A_40 = vector.broadcast %broadcast_in_dim3A : f32 to vector<1x32x1024xf32>
      %swap3A_41 = arith.constant 0 : index
      %swap3A_42 = arith.constant 0 : index
      %swap3A_43 = arith.constant 0 : index
      %swap3A_44 = vector.load %arg6[%swap3A_41, %swap3A_42, %swap3A_43] : memref<1x32x1024xf32, #tpu.memory_space<vmem>>, vector<1x32x1024xf32>
      tpu.vector_store %arg6[%swap3A_41, %swap3A_42, %swap3A_43], %broadcast_in_dim3A_40 {strides = array<i32>} : memref<1x32x1024xf32, #tpu.memory_space<vmem>>, vector<1x32x1024xf32>,
    } else {
    }
    %get3A = arith.constant 0 : index
    %get3A_2 = arith.constant 0 : index
    %get3A_3 = vector.load %arg2[%get3A, %get3A_2] : memref<32x1024xf32, #tpu.memory_space<vmem>>, vector<32x1024xf32>
    %get3A_4 = arith.constant 0 : index
    %get3A_5 = arith.constant 0 : index
    %get3A_6 = arith.constant 0 : index
    %get3A_7 = vector.load %arg3[%get3A_4, %get3A_5, %get3A_6] : memref<1x1024x1024xf32, #tpu.memory_space<vmem>>, vector<1x1024x1024xf32>
    %get3A_8 = vector.shape_cast %get3A_7 : vector<1x1024x1024xf32> to vector<1024x1024xf32>
    %dot_general3A = arith.constant dense<0.000000e+00> : vector<32x1024xf32>
    %dot_general3A_9 = tpu.matmul %get3A_3, %get3A_8, %dot_general3A {dimension_numbers = #tpu.dot_dimension_numbers<[1], [0], [0], [1], [0, 0, 1, 1], [], []>, transpose_lhs_hint = false} : vector<32x1024xf32>, vector<1024x1024xf32>, vector<32x1024xf32> -> vector<32x1024xf32>
    %get3A_10 = arith.constant 0 : index
    %get3A_11 = arith.constant 0 : index
    %get3A_12 = arith.constant 0 : index
    %get3A_13 = vector.load %arg4[%get3A_10, %get3A_11, %get3A_12] : memref<1x1024x1024xf32, #tpu.memory_space<vmem>>, vector<1x1024x1024xf32>
    %get3A_14 = vector.shape_cast %get3A_13 : vector<1x1024x1024xf32> to vector<1024x1024xf32>
    %dot_general3A_15 = arith.constant dense<0.000000e+00> : vector<32x1024xf32>
    %dot_general3A_16 = tpu.matmul %get3A_3, %get3A_14, %dot_general3A_15 {dimension_numbers = #tpu.dot_dimension_numbers<[1], [0], [0], [1], [0, 0, 1, 1], [], []>, transpose_lhs_hint = false} : vector<32x1024xf32>, vector<1024x1024xf32>, vector<32x1024xf32> -> vector<32x1024xf32>
    %logistic3A = arith.negf %dot_general3A_9 : vector<32x1024xf32>
    %logistic3A_17 = math.exp %logistic3A : vector<32x1024xf32>
    %logistic3A_18 = arith.constant 1.000000e+00 : f32
    %logistic3A_19 = vector.broadcast %logistic3A_18 : f32 to vector<32x1024xf32>
    %logistic3A_20 = arith.addf %logistic3A_19, %logistic3A_17 : vector<32x1024xf32>
    %logistic3A_21 = arith.divf %logistic3A_19, %logistic3A_20 : vector<32x1024xf32>
    %mul3A = arith.mulf %dot_general3A_9, %logistic3A_21 : vector<32x1024xf32>
    %mul3A_22 = arith.mulf %mul3A, %dot_general3A_16 : vector<32x1024xf32>
    %get3A_23 = arith.constant 0 : index
    %get3A_24 = arith.constant 0 : index
    %get3A_25 = arith.constant 0 : index
    %get3A_26 = vector.load %arg6[%get3A_23, %get3A_24, %get3A_25] : memref<1x32x1024xf32, #tpu.memory_space<vmem>>, vector<1x32x1024xf32>
    %get3A_27 = vector.shape_cast %get3A_26 : vector<1x32x1024xf32> to vector<32x1024xf32>
    %get3A_28 = arith.constant 0 : index
    %get3A_29 = arith.constant 0 : index
    %get3A_30 = arith.constant 0 : index
    %get3A_31 = vector.load %arg5[%get3A_28, %get3A_29, %get3A_30] : memref<1x1024x1024xf32, #tpu.memory_space<vmem>>, vector<1x1024x1024xf32>
    %get3A_32 = vector.shape_cast %get3A_31 : vector<1x1024x1024xf32> to vector<1024x1024xf32>
    %dot_general3A_33 = arith.constant dense<0.000000e+00> : vector<32x1024xf32>
    %dot_general3A_34 = tpu.matmul %mul3A_22, %get3A_32, %dot_general3A_33 {dimension_numbers = #tpu.dot_dimension_numbers<[1], [0], [0], [1], [0, 0, 1, 1], [], []>, transpose_lhs_hint = false} : vector<32x1024xf32>, vector<1024x1024xf32>, vector<32x1024xf32> -> vector<32x1024xf32>
    %add3A = arith.addf %get3A_27, %dot_general3A_34 : vector<32x1024xf32>
    %swap3A = arith.constant 0 : index
    %swap3A_35 = arith.constant 0 : index
    %swap3A_36 = arith.constant 0 : index
    %swap3A_37 = vector.load %arg6[%swap3A, %swap3A_35, %swap3A_36] : memref<1x32x1024xf32, #tpu.memory_space<vmem>>, vector<1x32x1024xf32>
    %swap3A_38 = vector.shape_cast %swap3A_37 : vector<1x32x1024xf32> to vector<32x1024xf32>
    %swap3A_39 = vector.shape_cast %add3A : vector<32x1024xf32> to vector<1x32x1024xf32>
    tpu.vector_store %arg6[%swap3A, %swap3A_35, %swap3A_36], %swap3A_39 {strides = array<i32>} : memref<1x32x1024xf32, #tpu.memory_space<vmem>>, vector<1x32x1024xf32>,
    return
  }
  func.func @transform_0(%arg0: i32, %arg1: i32) -> (i32, i32) {
    %c0_i32 = arith.constant 0 : i32
    %c0_i32_0 = arith.constant 0 : i32
    %c0_i32_1 = arith.constant 0 : i32
    return %c0_i32, %c0_i32_0 : i32, i32
  }
  func.func @transform_1(%arg0: i32, %arg1: i32) -> (i32, i32, i32) {
    %c0_i32 = arith.constant 0 : i32
    %c0_i32_0 = arith.constant 0 : i32
    return %arg0, %c0_i32, %arg1 : i32, i32, i32
  }
  func.func @transform_2(%arg0: i32, %arg1: i32) -> (i32, i32, i32) {
    %c0_i32 = arith.constant 0 : i32
    %c0_i32_0 = arith.constant 0 : i32
    return %arg0, %c0_i32, %arg1 : i32, i32, i32
  }
  func.func @transform_3(%arg0: i32, %arg1: i32) -> (i32, i32, i32) {
    %c0_i32 = arith.constant 0 : i32
    %c0_i32_0 = arith.constant 0 : i32
    return %arg0, %arg1, %c0_i32 : i32, i32, i32
  }
  func.func @transform_4(%arg0: i32, %arg1: i32) -> (i32, i32, i32) {
    %c0_i32 = arith.constant 0 : i32
    %c0_i32_0 = arith.constant 0 : i32
    %c0_i32_1 = arith.constant 0 : i32
    return %arg0, %c0_i32, %c0_i32_0 : i32, i32, i32
  }
}

module attributes {stable_mosaic.version = 14 : i64} {
  func.func @_router_tc_kernel(%arg0: memref<32x1024xf32, #tpu.memory_space<vmem>>, %arg1: memref<16x1024xf32, #tpu.memory_space<vmem>>, %arg2: memref<1x16xf32, #tpu.memory_space<vmem>>, %arg3: memref<32x16xf32, #tpu.memory_space<vmem>>, %arg4: memref<32x16xf32, #tpu.memory_space<vmem>>) attributes {dimension_semantics = [], scalar_prefetch = 0 : i64, scratch_operands = 0 : i64, tpu.core_type = #tpu.core_type<tc>} {
    %get3A = arith.constant 0 : index
    %get3A_0 = arith.constant 0 : index
    %get3A_1 = vector.load %arg0[%get3A, %get3A_0] : memref<32x1024xf32, #tpu.memory_space<vmem>>, vector<32x1024xf32>
    %get3A_2 = arith.constant 0 : index
    %get3A_3 = arith.constant 0 : index
    %get3A_4 = vector.load %arg1[%get3A_2, %get3A_3] : memref<16x1024xf32, #tpu.memory_space<vmem>>, vector<16x1024xf32>
    %dot_general3A = arith.constant dense<0.000000e+00> : vector<32x16xf32>
    %dot_general3A_5 = tpu.matmul %get3A_1, %get3A_4, %dot_general3A {dimension_numbers = #tpu.dot_dimension_numbers<[1], [1], [0], [0], [0, 0, 1, 0], [], []>, transpose_lhs_hint = false} : vector<32x1024xf32>, vector<16x1024xf32>, vector<32x16xf32> -> vector<32x16xf32>
    %reduce_max3A = arith.constant dense<0xFF800000> : vector<32xf32>
    %reduce_max3A_6 = vector.multi_reduction <maximumf>, %dot_general3A_5, %reduce_max3A [1] : vector<32x16xf32> to vector<32xf32>
    %broadcast_in_dim3A = vector.shape_cast %reduce_max3A_6 : vector<32xf32> to vector<32x1xf32>
    %sub3A = vector.broadcast %broadcast_in_dim3A : vector<32x1xf32> to vector<32x16xf32>
    %sub3A_7 = arith.subf %dot_general3A_5, %sub3A : vector<32x16xf32>
    %exp3A = math.exp %sub3A_7 : vector<32x16xf32>
    %reduce_sum3A = arith.constant dense<0.000000e+00> : vector<32xf32>
    %reduce_sum3A_8 = vector.multi_reduction <add>, %exp3A, %reduce_sum3A [1] : vector<32x16xf32> to vector<32xf32>
    %broadcast_in_dim3A_9 = vector.shape_cast %reduce_sum3A_8 : vector<32xf32> to vector<32x1xf32>
    %div3A = vector.broadcast %broadcast_in_dim3A_9 : vector<32x1xf32> to vector<32x16xf32>
    %div3A_10 = arith.divf %exp3A, %div3A : vector<32x16xf32>
    %swap3A = arith.constant 0 : index
    %swap3A_11 = arith.constant 0 : index
    %swap3A_12 = vector.load %arg3[%swap3A, %swap3A_11] : memref<32x16xf32, #tpu.memory_space<vmem>>, vector<32x16xf32>
    tpu.vector_store %arg3[%swap3A, %swap3A_11], %div3A_10 {strides = array<i32>} : memref<32x16xf32, #tpu.memory_space<vmem>>, vector<32x16xf32>,
    %get3A_13 = arith.constant 0 : index
    %get3A_14 = arith.constant 0 : index
    %get3A_15 = vector.load %arg2[%get3A_13, %get3A_14] : memref<1x16xf32, #tpu.memory_space<vmem>>, vector<1x16xf32>
    %add3A = vector.broadcast %get3A_15 : vector<1x16xf32> to vector<32x16xf32>
    %add3A_16 = arith.addf %div3A_10, %add3A : vector<32x16xf32>
    %swap3A_17 = arith.constant 0 : index
    %swap3A_18 = arith.constant 0 : index
    %swap3A_19 = vector.load %arg4[%swap3A_17, %swap3A_18] : memref<32x16xf32, #tpu.memory_space<vmem>>, vector<32x16xf32>
    tpu.vector_store %arg4[%swap3A_17, %swap3A_18], %add3A_16 {strides = array<i32>} : memref<32x16xf32, #tpu.memory_space<vmem>>, vector<32x16xf32>,
    return
  }
}

module attributes {stable_mosaic.version = 14 : i64} {
  func.func @_combine_tc_kernel(%arg0: memref<16x32x1024xf32, #tpu.memory_space<vmem>>, %arg1: memref<32x16xf32, #tpu.memory_space<vmem>>, %arg2: memref<32x1024xf32, #tpu.memory_space<vmem>>) attributes {dimension_semantics = [], scalar_prefetch = 0 : i64, scratch_operands = 0 : i64, tpu.core_type = #tpu.core_type<tc>} {
    %get3A = arith.constant 0 : index
    %get3A_0 = arith.constant 0 : index
    %get3A_1 = vector.load %arg1[%get3A, %get3A_0] : memref<32x16xf32, #tpu.memory_space<vmem>>, vector<32x16xf32>
    %iota3A = tpu.iota {dimensions = array<i32: 1>} : vector<32x16xi32>
    %broadcast_in_dim3A = arith.constant 0.000000e+00 : f32
    %broadcast_in_dim3A_2 = vector.broadcast %broadcast_in_dim3A : f32 to vector<32x1024xf32>
    %eq3A = arith.constant 0 : i32
    %eq3A_3 = vector.broadcast %eq3A : i32 to vector<32x16xi32>
    %eq3A_4 = arith.cmpi eq, %iota3A, %eq3A_3 : vector<32x16xi32>
    %jit3A = arith.constant 0.000000e+00 : f32
    %broadcast_in_dim3A_5 = vector.broadcast %jit3A : f32 to vector<32x16xf32>
    %select_n3A = arith.select %eq3A_4, %get3A_1, %broadcast_in_dim3A_5 : vector<32x16xi1>, vector<32x16xf32>
    %reduce_sum3A = arith.constant dense<0.000000e+00> : vector<32xf32>
    %reduce_sum3A_6 = vector.multi_reduction <add>, %select_n3A, %reduce_sum3A [1] : vector<32x16xf32> to vector<32xf32>
    %broadcast_in_dim3A_7 = vector.shape_cast %reduce_sum3A_6 : vector<32xf32> to vector<32x1xf32>
    %get3A_8 = arith.constant 0 : index
    %get3A_9 = arith.constant 0 : index
    %get3A_10 = arith.constant 0 : index
    %get3A_11 = vector.load %arg0[%get3A_8, %get3A_9, %get3A_10] : memref<16x32x1024xf32, #tpu.memory_space<vmem>>, vector<1x32x1024xf32>
    %get3A_12 = vector.shape_cast %get3A_11 : vector<1x32x1024xf32> to vector<32x1024xf32>
    %mul3A = vector.broadcast %broadcast_in_dim3A_7 : vector<32x1xf32> to vector<32x1024xf32>
    %mul3A_13 = arith.mulf %mul3A, %get3A_12 : vector<32x1024xf32>
    %add3A = arith.addf %broadcast_in_dim3A_2, %mul3A_13 : vector<32x1024xf32>
    %eq3A_14 = arith.constant 1 : i32
    %eq3A_15 = vector.broadcast %eq3A_14 : i32 to vector<32x16xi32>
    %eq3A_16 = arith.cmpi eq, %iota3A, %eq3A_15 : vector<32x16xi32>
    %jit3A_17 = arith.constant 0.000000e+00 : f32
    %broadcast_in_dim3A_18 = vector.broadcast %jit3A_17 : f32 to vector<32x16xf32>
    %select_n3A_19 = arith.select %eq3A_16, %get3A_1, %broadcast_in_dim3A_18 : vector<32x16xi1>, vector<32x16xf32>
    %reduce_sum3A_20 = arith.constant dense<0.000000e+00> : vector<32xf32>
    %reduce_sum3A_21 = vector.multi_reduction <add>, %select_n3A_19, %reduce_sum3A_20 [1] : vector<32x16xf32> to vector<32xf32>
    %broadcast_in_dim3A_22 = vector.shape_cast %reduce_sum3A_21 : vector<32xf32> to vector<32x1xf32>
    %get3A_23 = arith.constant 1 : index
    %get3A_24 = arith.constant 0 : index
    %get3A_25 = arith.constant 0 : index
    %get3A_26 = vector.load %arg0[%get3A_23, %get3A_24, %get3A_25] : memref<16x32x1024xf32, #tpu.memory_space<vmem>>, vector<1x32x1024xf32>
    %get3A_27 = vector.shape_cast %get3A_26 : vector<1x32x1024xf32> to vector<32x1024xf32>
    %mul3A_28 = vector.broadcast %broadcast_in_dim3A_22 : vector<32x1xf32> to vector<32x1024xf32>
    %mul3A_29 = arith.mulf %mul3A_28, %get3A_27 : vector<32x1024xf32>
    %add3A_30 = arith.addf %add3A, %mul3A_29 : vector<32x1024xf32>
    %eq3A_31 = arith.constant 2 : i32
    %eq3A_32 = vector.broadcast %eq3A_31 : i32 to vector<32x16xi32>
    %eq3A_33 = arith.cmpi eq, %iota3A, %eq3A_32 : vector<32x16xi32>
    %jit3A_34 = arith.constant 0.000000e+00 : f32
    %broadcast_in_dim3A_35 = vector.broadcast %jit3A_34 : f32 to vector<32x16xf32>
    %select_n3A_36 = arith.select %eq3A_33, %get3A_1, %broadcast_in_dim3A_35 : vector<32x16xi1>, vector<32x16xf32>
    %reduce_sum3A_37 = arith.constant dense<0.000000e+00> : vector<32xf32>
    %reduce_sum3A_38 = vector.multi_reduction <add>, %select_n3A_36, %reduce_sum3A_37 [1] : vector<32x16xf32> to vector<32xf32>
    %broadcast_in_dim3A_39 = vector.shape_cast %reduce_sum3A_38 : vector<32xf32> to vector<32x1xf32>
    %get3A_40 = arith.constant 2 : index
    %get3A_41 = arith.constant 0 : index
    %get3A_42 = arith.constant 0 : index
    %get3A_43 = vector.load %arg0[%get3A_40, %get3A_41, %get3A_42] : memref<16x32x1024xf32, #tpu.memory_space<vmem>>, vector<1x32x1024xf32>
    %get3A_44 = vector.shape_cast %get3A_43 : vector<1x32x1024xf32> to vector<32x1024xf32>
    %mul3A_45 = vector.broadcast %broadcast_in_dim3A_39 : vector<32x1xf32> to vector<32x1024xf32>
    %mul3A_46 = arith.mulf %mul3A_45, %get3A_44 : vector<32x1024xf32>
    %add3A_47 = arith.addf %add3A_30, %mul3A_46 : vector<32x1024xf32>
    %eq3A_48 = arith.constant 3 : i32
    %eq3A_49 = vector.broadcast %eq3A_48 : i32 to vector<32x16xi32>
    %eq3A_50 = arith.cmpi eq, %iota3A, %eq3A_49 : vector<32x16xi32>
    %jit3A_51 = arith.constant 0.000000e+00 : f32
    %broadcast_in_dim3A_52 = vector.broadcast %jit3A_51 : f32 to vector<32x16xf32>
    %select_n3A_53 = arith.select %eq3A_50, %get3A_1, %broadcast_in_dim3A_52 : vector<32x16xi1>, vector<32x16xf32>
    %reduce_sum3A_54 = arith.constant dense<0.000000e+00> : vector<32xf32>
    %reduce_sum3A_55 = vector.multi_reduction <add>, %select_n3A_53, %reduce_sum3A_54 [1] : vector<32x16xf32> to vector<32xf32>
    %broadcast_in_dim3A_56 = vector.shape_cast %reduce_sum3A_55 : vector<32xf32> to vector<32x1xf32>
    %get3A_57 = arith.constant 3 : index
    %get3A_58 = arith.constant 0 : index
    %get3A_59 = arith.constant 0 : index
    %get3A_60 = vector.load %arg0[%get3A_57, %get3A_58, %get3A_59] : memref<16x32x1024xf32, #tpu.memory_space<vmem>>, vector<1x32x1024xf32>
    %get3A_61 = vector.shape_cast %get3A_60 : vector<1x32x1024xf32> to vector<32x1024xf32>
    %mul3A_62 = vector.broadcast %broadcast_in_dim3A_56 : vector<32x1xf32> to vector<32x1024xf32>
    %mul3A_63 = arith.mulf %mul3A_62, %get3A_61 : vector<32x1024xf32>
    %add3A_64 = arith.addf %add3A_47, %mul3A_63 : vector<32x1024xf32>
    %eq3A_65 = arith.constant 4 : i32
    %eq3A_66 = vector.broadcast %eq3A_65 : i32 to vector<32x16xi32>
    %eq3A_67 = arith.cmpi eq, %iota3A, %eq3A_66 : vector<32x16xi32>
    %jit3A_68 = arith.constant 0.000000e+00 : f32
    %broadcast_in_dim3A_69 = vector.broadcast %jit3A_68 : f32 to vector<32x16xf32>
    %select_n3A_70 = arith.select %eq3A_67, %get3A_1, %broadcast_in_dim3A_69 : vector<32x16xi1>, vector<32x16xf32>
    %reduce_sum3A_71 = arith.constant dense<0.000000e+00> : vector<32xf32>
    %reduce_sum3A_72 = vector.multi_reduction <add>, %select_n3A_70, %reduce_sum3A_71 [1] : vector<32x16xf32> to vector<32xf32>
    %broadcast_in_dim3A_73 = vector.shape_cast %reduce_sum3A_72 : vector<32xf32> to vector<32x1xf32>
    %get3A_74 = arith.constant 4 : index
    %get3A_75 = arith.constant 0 : index
    %get3A_76 = arith.constant 0 : index
    %get3A_77 = vector.load %arg0[%get3A_74, %get3A_75, %get3A_76] : memref<16x32x1024xf32, #tpu.memory_space<vmem>>, vector<1x32x1024xf32>
    %get3A_78 = vector.shape_cast %get3A_77 : vector<1x32x1024xf32> to vector<32x1024xf32>
    %mul3A_79 = vector.broadcast %broadcast_in_dim3A_73 : vector<32x1xf32> to vector<32x1024xf32>
    %mul3A_80 = arith.mulf %mul3A_79, %get3A_78 : vector<32x1024xf32>
    %add3A_81 = arith.addf %add3A_64, %mul3A_80 : vector<32x1024xf32>
    %eq3A_82 = arith.constant 5 : i32
    %eq3A_83 = vector.broadcast %eq3A_82 : i32 to vector<32x16xi32>
    %eq3A_84 = arith.cmpi eq, %iota3A, %eq3A_83 : vector<32x16xi32>
    %jit3A_85 = arith.constant 0.000000e+00 : f32
    %broadcast_in_dim3A_86 = vector.broadcast %jit3A_85 : f32 to vector<32x16xf32>
    %select_n3A_87 = arith.select %eq3A_84, %get3A_1, %broadcast_in_dim3A_86 : vector<32x16xi1>, vector<32x16xf32>
    %reduce_sum3A_88 = arith.constant dense<0.000000e+00> : vector<32xf32>
    %reduce_sum3A_89 = vector.multi_reduction <add>, %select_n3A_87, %reduce_sum3A_88 [1] : vector<32x16xf32> to vector<32xf32>
    %broadcast_in_dim3A_90 = vector.shape_cast %reduce_sum3A_89 : vector<32xf32> to vector<32x1xf32>
    %get3A_91 = arith.constant 5 : index
    %get3A_92 = arith.constant 0 : index
    %get3A_93 = arith.constant 0 : index
    %get3A_94 = vector.load %arg0[%get3A_91, %get3A_92, %get3A_93] : memref<16x32x1024xf32, #tpu.memory_space<vmem>>, vector<1x32x1024xf32>
    %get3A_95 = vector.shape_cast %get3A_94 : vector<1x32x1024xf32> to vector<32x1024xf32>
    %mul3A_96 = vector.broadcast %broadcast_in_dim3A_90 : vector<32x1xf32> to vector<32x1024xf32>
    %mul3A_97 = arith.mulf %mul3A_96, %get3A_95 : vector<32x1024xf32>
    %add3A_98 = arith.addf %add3A_81, %mul3A_97 : vector<32x1024xf32>
    %eq3A_99 = arith.constant 6 : i32
    %eq3A_100 = vector.broadcast %eq3A_99 : i32 to vector<32x16xi32>
    %eq3A_101 = arith.cmpi eq, %iota3A, %eq3A_100 : vector<32x16xi32>
    %jit3A_102 = arith.constant 0.000000e+00 : f32
    %broadcast_in_dim3A_103 = vector.broadcast %jit3A_102 : f32 to vector<32x16xf32>
    %select_n3A_104 = arith.select %eq3A_101, %get3A_1, %broadcast_in_dim3A_103 : vector<32x16xi1>, vector<32x16xf32>
    %reduce_sum3A_105 = arith.constant dense<0.000000e+00> : vector<32xf32>
    %reduce_sum3A_106 = vector.multi_reduction <add>, %select_n3A_104, %reduce_sum3A_105 [1] : vector<32x16xf32> to vector<32xf32>
    %broadcast_in_dim3A_107 = vector.shape_cast %reduce_sum3A_106 : vector<32xf32> to vector<32x1xf32>
    %get3A_108 = arith.constant 6 : index
    %get3A_109 = arith.constant 0 : index
    %get3A_110 = arith.constant 0 : index
    %get3A_111 = vector.load %arg0[%get3A_108, %get3A_109, %get3A_110] : memref<16x32x1024xf32, #tpu.memory_space<vmem>>, vector<1x32x1024xf32>
    %get3A_112 = vector.shape_cast %get3A_111 : vector<1x32x1024xf32> to vector<32x1024xf32>
    %mul3A_113 = vector.broadcast %broadcast_in_dim3A_107 : vector<32x1xf32> to vector<32x1024xf32>
    %mul3A_114 = arith.mulf %mul3A_113, %get3A_112 : vector<32x1024xf32>
    %add3A_115 = arith.addf %add3A_98, %mul3A_114 : vector<32x1024xf32>
    %eq3A_116 = arith.constant 7 : i32
    %eq3A_117 = vector.broadcast %eq3A_116 : i32 to vector<32x16xi32>
    %eq3A_118 = arith.cmpi eq, %iota3A, %eq3A_117 : vector<32x16xi32>
    %jit3A_119 = arith.constant 0.000000e+00 : f32
    %broadcast_in_dim3A_120 = vector.broadcast %jit3A_119 : f32 to vector<32x16xf32>
    %select_n3A_121 = arith.select %eq3A_118, %get3A_1, %broadcast_in_dim3A_120 : vector<32x16xi1>, vector<32x16xf32>
    %reduce_sum3A_122 = arith.constant dense<0.000000e+00> : vector<32xf32>
    %reduce_sum3A_123 = vector.multi_reduction <add>, %select_n3A_121, %reduce_sum3A_122 [1] : vector<32x16xf32> to vector<32xf32>
    %broadcast_in_dim3A_124 = vector.shape_cast %reduce_sum3A_123 : vector<32xf32> to vector<32x1xf32>
    %get3A_125 = arith.constant 7 : index
    %get3A_126 = arith.constant 0 : index
    %get3A_127 = arith.constant 0 : index
    %get3A_128 = vector.load %arg0[%get3A_125, %get3A_126, %get3A_127] : memref<16x32x1024xf32, #tpu.memory_space<vmem>>, vector<1x32x1024xf32>
    %get3A_129 = vector.shape_cast %get3A_128 : vector<1x32x1024xf32> to vector<32x1024xf32>
    %mul3A_130 = vector.broadcast %broadcast_in_dim3A_124 : vector<32x1xf32> to vector<32x1024xf32>
    %mul3A_131 = arith.mulf %mul3A_130, %get3A_129 : vector<32x1024xf32>
    %add3A_132 = arith.addf %add3A_115, %mul3A_131 : vector<32x1024xf32>
    %eq3A_133 = arith.constant 8 : i32
    %eq3A_134 = vector.broadcast %eq3A_133 : i32 to vector<32x16xi32>
    %eq3A_135 = arith.cmpi eq, %iota3A, %eq3A_134 : vector<32x16xi32>
    %jit3A_136 = arith.constant 0.000000e+00 : f32
    %broadcast_in_dim3A_137 = vector.broadcast %jit3A_136 : f32 to vector<32x16xf32>
    %select_n3A_138 = arith.select %eq3A_135, %get3A_1, %broadcast_in_dim3A_137 : vector<32x16xi1>, vector<32x16xf32>
    %reduce_sum3A_139 = arith.constant dense<0.000000e+00> : vector<32xf32>
    %reduce_sum3A_140 = vector.multi_reduction <add>, %select_n3A_138, %reduce_sum3A_139 [1] : vector<32x16xf32> to vector<32xf32>
    %broadcast_in_dim3A_141 = vector.shape_cast %reduce_sum3A_140 : vector<32xf32> to vector<32x1xf32>
    %get3A_142 = arith.constant 8 : index
    %get3A_143 = arith.constant 0 : index
    %get3A_144 = arith.constant 0 : index
    %get3A_145 = vector.load %arg0[%get3A_142, %get3A_143, %get3A_144] : memref<16x32x1024xf32, #tpu.memory_space<vmem>>, vector<1x32x1024xf32>
    %get3A_146 = vector.shape_cast %get3A_145 : vector<1x32x1024xf32> to vector<32x1024xf32>
    %mul3A_147 = vector.broadcast %broadcast_in_dim3A_141 : vector<32x1xf32> to vector<32x1024xf32>
    %mul3A_148 = arith.mulf %mul3A_147, %get3A_146 : vector<32x1024xf32>
    %add3A_149 = arith.addf %add3A_132, %mul3A_148 : vector<32x1024xf32>
    %eq3A_150 = arith.constant 9 : i32
    %eq3A_151 = vector.broadcast %eq3A_150 : i32 to vector<32x16xi32>
    %eq3A_152 = arith.cmpi eq, %iota3A, %eq3A_151 : vector<32x16xi32>
    %jit3A_153 = arith.constant 0.000000e+00 : f32
    %broadcast_in_dim3A_154 = vector.broadcast %jit3A_153 : f32 to vector<32x16xf32>
    %select_n3A_155 = arith.select %eq3A_152, %get3A_1, %broadcast_in_dim3A_154 : vector<32x16xi1>, vector<32x16xf32>
    %reduce_sum3A_156 = arith.constant dense<0.000000e+00> : vector<32xf32>
    %reduce_sum3A_157 = vector.multi_reduction <add>, %select_n3A_155, %reduce_sum3A_156 [1] : vector<32x16xf32> to vector<32xf32>
    %broadcast_in_dim3A_158 = vector.shape_cast %reduce_sum3A_157 : vector<32xf32> to vector<32x1xf32>
    %get3A_159 = arith.constant 9 : index
    %get3A_160 = arith.constant 0 : index
    %get3A_161 = arith.constant 0 : index
    %get3A_162 = vector.load %arg0[%get3A_159, %get3A_160, %get3A_161] : memref<16x32x1024xf32, #tpu.memory_space<vmem>>, vector<1x32x1024xf32>
    %get3A_163 = vector.shape_cast %get3A_162 : vector<1x32x1024xf32> to vector<32x1024xf32>
    %mul3A_164 = vector.broadcast %broadcast_in_dim3A_158 : vector<32x1xf32> to vector<32x1024xf32>
    %mul3A_165 = arith.mulf %mul3A_164, %get3A_163 : vector<32x1024xf32>
    %add3A_166 = arith.addf %add3A_149, %mul3A_165 : vector<32x1024xf32>
    %eq3A_167 = arith.constant 10 : i32
    %eq3A_168 = vector.broadcast %eq3A_167 : i32 to vector<32x16xi32>
    %eq3A_169 = arith.cmpi eq, %iota3A, %eq3A_168 : vector<32x16xi32>
    %jit3A_170 = arith.constant 0.000000e+00 : f32
    %broadcast_in_dim3A_171 = vector.broadcast %jit3A_170 : f32 to vector<32x16xf32>
    %select_n3A_172 = arith.select %eq3A_169, %get3A_1, %broadcast_in_dim3A_171 : vector<32x16xi1>, vector<32x16xf32>
    %reduce_sum3A_173 = arith.constant dense<0.000000e+00> : vector<32xf32>
    %reduce_sum3A_174 = vector.multi_reduction <add>, %select_n3A_172, %reduce_sum3A_173 [1] : vector<32x16xf32> to vector<32xf32>
    %broadcast_in_dim3A_175 = vector.shape_cast %reduce_sum3A_174 : vector<32xf32> to vector<32x1xf32>
    %get3A_176 = arith.constant 10 : index
    %get3A_177 = arith.constant 0 : index
    %get3A_178 = arith.constant 0 : index
    %get3A_179 = vector.load %arg0[%get3A_176, %get3A_177, %get3A_178] : memref<16x32x1024xf32, #tpu.memory_space<vmem>>, vector<1x32x1024xf32>
    %get3A_180 = vector.shape_cast %get3A_179 : vector<1x32x1024xf32> to vector<32x1024xf32>
    %mul3A_181 = vector.broadcast %broadcast_in_dim3A_175 : vector<32x1xf32> to vector<32x1024xf32>
    %mul3A_182 = arith.mulf %mul3A_181, %get3A_180 : vector<32x1024xf32>
    %add3A_183 = arith.addf %add3A_166, %mul3A_182 : vector<32x1024xf32>
    %eq3A_184 = arith.constant 11 : i32
    %eq3A_185 = vector.broadcast %eq3A_184 : i32 to vector<32x16xi32>
    %eq3A_186 = arith.cmpi eq, %iota3A, %eq3A_185 : vector<32x16xi32>
    %jit3A_187 = arith.constant 0.000000e+00 : f32
    %broadcast_in_dim3A_188 = vector.broadcast %jit3A_187 : f32 to vector<32x16xf32>
    %select_n3A_189 = arith.select %eq3A_186, %get3A_1, %broadcast_in_dim3A_188 : vector<32x16xi1>, vector<32x16xf32>
    %reduce_sum3A_190 = arith.constant dense<0.000000e+00> : vector<32xf32>
    %reduce_sum3A_191 = vector.multi_reduction <add>, %select_n3A_189, %reduce_sum3A_190 [1] : vector<32x16xf32> to vector<32xf32>
    %broadcast_in_dim3A_192 = vector.shape_cast %reduce_sum3A_191 : vector<32xf32> to vector<32x1xf32>
    %get3A_193 = arith.constant 11 : index
    %get3A_194 = arith.constant 0 : index
    %get3A_195 = arith.constant 0 : index
    %get3A_196 = vector.load %arg0[%get3A_193, %get3A_194, %get3A_195] : memref<16x32x1024xf32, #tpu.memory_space<vmem>>, vector<1x32x1024xf32>
    %get3A_197 = vector.shape_cast %get3A_196 : vector<1x32x1024xf32> to vector<32x1024xf32>
    %mul3A_198 = vector.broadcast %broadcast_in_dim3A_192 : vector<32x1xf32> to vector<32x1024xf32>
    %mul3A_199 = arith.mulf %mul3A_198, %get3A_197 : vector<32x1024xf32>
    %add3A_200 = arith.addf %add3A_183, %mul3A_199 : vector<32x1024xf32>
    %eq3A_201 = arith.constant 12 : i32
    %eq3A_202 = vector.broadcast %eq3A_201 : i32 to vector<32x16xi32>
    %eq3A_203 = arith.cmpi eq, %iota3A, %eq3A_202 : vector<32x16xi32>
    %jit3A_204 = arith.constant 0.000000e+00 : f32
    %broadcast_in_dim3A_205 = vector.broadcast %jit3A_204 : f32 to vector<32x16xf32>
    %select_n3A_206 = arith.select %eq3A_203, %get3A_1, %broadcast_in_dim3A_205 : vector<32x16xi1>, vector<32x16xf32>
    %reduce_sum3A_207 = arith.constant dense<0.000000e+00> : vector<32xf32>
    %reduce_sum3A_208 = vector.multi_reduction <add>, %select_n3A_206, %reduce_sum3A_207 [1] : vector<32x16xf32> to vector<32xf32>
    %broadcast_in_dim3A_209 = vector.shape_cast %reduce_sum3A_208 : vector<32xf32> to vector<32x1xf32>
    %get3A_210 = arith.constant 12 : index
    %get3A_211 = arith.constant 0 : index
    %get3A_212 = arith.constant 0 : index
    %get3A_213 = vector.load %arg0[%get3A_210, %get3A_211, %get3A_212] : memref<16x32x1024xf32, #tpu.memory_space<vmem>>, vector<1x32x1024xf32>
    %get3A_214 = vector.shape_cast %get3A_213 : vector<1x32x1024xf32> to vector<32x1024xf32>
    %mul3A_215 = vector.broadcast %broadcast_in_dim3A_209 : vector<32x1xf32> to vector<32x1024xf32>
    %mul3A_216 = arith.mulf %mul3A_215, %get3A_214 : vector<32x1024xf32>
    %add3A_217 = arith.addf %add3A_200, %mul3A_216 : vector<32x1024xf32>
    %eq3A_218 = arith.constant 13 : i32
    %eq3A_219 = vector.broadcast %eq3A_218 : i32 to vector<32x16xi32>
    %eq3A_220 = arith.cmpi eq, %iota3A, %eq3A_219 : vector<32x16xi32>
    %jit3A_221 = arith.constant 0.000000e+00 : f32
    %broadcast_in_dim3A_222 = vector.broadcast %jit3A_221 : f32 to vector<32x16xf32>
    %select_n3A_223 = arith.select %eq3A_220, %get3A_1, %broadcast_in_dim3A_222 : vector<32x16xi1>, vector<32x16xf32>
    %reduce_sum3A_224 = arith.constant dense<0.000000e+00> : vector<32xf32>
    %reduce_sum3A_225 = vector.multi_reduction <add>, %select_n3A_223, %reduce_sum3A_224 [1] : vector<32x16xf32> to vector<32xf32>
    %broadcast_in_dim3A_226 = vector.shape_cast %reduce_sum3A_225 : vector<32xf32> to vector<32x1xf32>
    %get3A_227 = arith.constant 13 : index
    %get3A_228 = arith.constant 0 : index
    %get3A_229 = arith.constant 0 : index
    %get3A_230 = vector.load %arg0[%get3A_227, %get3A_228, %get3A_229] : memref<16x32x1024xf32, #tpu.memory_space<vmem>>, vector<1x32x1024xf32>
    %get3A_231 = vector.shape_cast %get3A_230 : vector<1x32x1024xf32> to vector<32x1024xf32>
    %mul3A_232 = vector.broadcast %broadcast_in_dim3A_226 : vector<32x1xf32> to vector<32x1024xf32>
    %mul3A_233 = arith.mulf %mul3A_232, %get3A_231 : vector<32x1024xf32>
    %add3A_234 = arith.addf %add3A_217, %mul3A_233 : vector<32x1024xf32>
    %eq3A_235 = arith.constant 14 : i32
    %eq3A_236 = vector.broadcast %eq3A_235 : i32 to vector<32x16xi32>
    %eq3A_237 = arith.cmpi eq, %iota3A, %eq3A_236 : vector<32x16xi32>
    %jit3A_238 = arith.constant 0.000000e+00 : f32
    %broadcast_in_dim3A_239 = vector.broadcast %jit3A_238 : f32 to vector<32x16xf32>
    %select_n3A_240 = arith.select %eq3A_237, %get3A_1, %broadcast_in_dim3A_239 : vector<32x16xi1>, vector<32x16xf32>
    %reduce_sum3A_241 = arith.constant dense<0.000000e+00> : vector<32xf32>
    %reduce_sum3A_242 = vector.multi_reduction <add>, %select_n3A_240, %reduce_sum3A_241 [1] : vector<32x16xf32> to vector<32xf32>
    %broadcast_in_dim3A_243 = vector.shape_cast %reduce_sum3A_242 : vector<32xf32> to vector<32x1xf32>
    %get3A_244 = arith.constant 14 : index
    %get3A_245 = arith.constant 0 : index
    %get3A_246 = arith.constant 0 : index
    %get3A_247 = vector.load %arg0[%get3A_244, %get3A_245, %get3A_246] : memref<16x32x1024xf32, #tpu.memory_space<vmem>>, vector<1x32x1024xf32>
    %get3A_248 = vector.shape_cast %get3A_247 : vector<1x32x1024xf32> to vector<32x1024xf32>
    %mul3A_249 = vector.broadcast %broadcast_in_dim3A_243 : vector<32x1xf32> to vector<32x1024xf32>
    %mul3A_250 = arith.mulf %mul3A_249, %get3A_248 : vector<32x1024xf32>
    %add3A_251 = arith.addf %add3A_234, %mul3A_250 : vector<32x1024xf32>
    %eq3A_252 = arith.constant 15 : i32
    %eq3A_253 = vector.broadcast %eq3A_252 : i32 to vector<32x16xi32>
    %eq3A_254 = arith.cmpi eq, %iota3A, %eq3A_253 : vector<32x16xi32>
    %jit3A_255 = arith.constant 0.000000e+00 : f32
    %broadcast_in_dim3A_256 = vector.broadcast %jit3A_255 : f32 to vector<32x16xf32>
    %select_n3A_257 = arith.select %eq3A_254, %get3A_1, %broadcast_in_dim3A_256 : vector<32x16xi1>, vector<32x16xf32>
    %reduce_sum3A_258 = arith.constant dense<0.000000e+00> : vector<32xf32>
    %reduce_sum3A_259 = vector.multi_reduction <add>, %select_n3A_257, %reduce_sum3A_258 [1] : vector<32x16xf32> to vector<32xf32>
    %broadcast_in_dim3A_260 = vector.shape_cast %reduce_sum3A_259 : vector<32xf32> to vector<32x1xf32>
    %get3A_261 = arith.constant 15 : index
    %get3A_262 = arith.constant 0 : index
    %get3A_263 = arith.constant 0 : index
    %get3A_264 = vector.load %arg0[%get3A_261, %get3A_262, %get3A_263] : memref<16x32x1024xf32, #tpu.memory_space<vmem>>, vector<1x32x1024xf32>
    %get3A_265 = vector.shape_cast %get3A_264 : vector<1x32x1024xf32> to vector<32x1024xf32>
    %mul3A_266 = vector.broadcast %broadcast_in_dim3A_260 : vector<32x1xf32> to vector<32x1024xf32>
    %mul3A_267 = arith.mulf %mul3A_266, %get3A_265 : vector<32x1024xf32>
    %add3A_268 = arith.addf %add3A_251, %mul3A_267 : vector<32x1024xf32>
    %swap3A = arith.constant 0 : index
    %swap3A_269 = arith.constant 0 : index
    %swap3A_270 = vector.load %arg2[%swap3A, %swap3A_269] : memref<32x1024xf32, #tpu.memory_space<vmem>>, vector<32x1024xf32>
    tpu.vector_store %arg2[%swap3A, %swap3A_269], %add3A_268 {strides = array<i32>} : memref<32x1024xf32, #tpu.memory_space<vmem>>, vector<32x1024xf32>,
    return
  }
}

</mosaic_0001>

<sc_bundles>
// kernel: kernel.6.cloned.1.call-start
scs
__scs_entry_jumppad:
0x0: {  	(pc) =	sbr.rel $0x88, $3  }
0x1: {  	(tag) =	ssettag $0x0;
	lr =	simm.s32 $0x1  }
0x2: {  	[smem:$0x3F9B] =	sst lr;
	_ =	strace $0xD0000000  }
0x3: {  	_ = 	snop  }
0x4: {  	_ = 	snop  }
0x5: {  	_ = 	snop  }
0x6: {  	_ = 	snop  }
0x7: {  	_ = 	snop  }
__scs_overlays_trampoline_lowered:
0x8: {  	[smem:$0x3FAA] =	sst s0  }
0x9: {  	[smem:$0x3FAB] =	sst s1  }
0xa: {  	[smem:$0x3FAC] =	sst s2  }
0xb: {  	[smem:$0x3FAD] =	sst s3  }
0xc: {  	[smem:$0x3FAE] =	sst s4  }
0xd: {  	[smem:$0x3FAF] =	sst s5  }
0xe: {  	[smem:$0x3FB0] =	sst s6  }
0xf: {  	[smem:$0x3FB1] =	sst s7  }
0x10: {  	[smem:$0x3FB2] =	sst s8  }
0x11: {  	[smem:$0x3FB3] =	sst s9;
	s0 =	simm.s32 @!p0 $0x0  }
0x12: {  	s1 =	sld [smem:$0x3F99];
	s0 =	simm.s32 @p0 $0x1  }
0x13: {  	[smem:$0x3FB4] =	sst s0;
	s0 =	simm.s32 @!p1 $0x0  }
0x14: {  	s2 =	sld [smem:$0x3F98];
	s0 =	simm.s32 @p1 $0x1  }
0x15: {  	[smem:$0x3FB5] =	sst s0;
	s0 =	simm.s32 @!p2 $0x0  }
0x16: {  	s3 =	sld [smem:$0x3FDB];
	s0 =	simm.s32 @p2 $0x1  }
0x17: {  	s4 =	simm.s32 $0x1BF5;
	[smem:$0x3FB7] =	sst s0  }
0x18: {  	s0 =	sld [smem:$0x3F9A];
	_ =	swait.ge [sflag:s4], $0x0  }
0x19: {  	s7 =	sld [smem:$0x3F9B]  }
0x1a: {  	s8 =	sadd.s32 $0xFFFFE003, lr  }
0x1b: {  	s9 =	sadd.s32 $0xFFFFFEF7, lr;
	s5 =	simm.s32 $0xFFFFFFFF;
	p2 =	slt.u32 s8, $0xFFFFF086  }
0x1c: {  	p1 =	slt.u32 s9, $0xF7A;
	s5 =	simm.s32 @!p2 $0x0  }
0x1d: {  	s5 =	simm.s32 @p1 $0x1;
	p0 =	seq.s32 s7, s2  }
0x1e: {  	s7 =	smul.u32 @!p0 $0xF7A, s2;
	p2 =	seq.s32 @!p0 s5, $0x0  }
0x1f: {  	s9 =	smul.u32 $0xF7A, s1;
	s8 =	simm.s32 @!p0 $0x1BF5;
	p2 =	por !p2, p0  }
0x20: {  	[sflag:s8] =	ssyncset.s32 @!p0 $0xFFFFF086;
	s6 =	sadd.s32 @!p0 s3, s7;
	s7 =	simm.s32 @!p0 $0x108  }
0x21: {  	s3 =	sadd.s32 s3, s9;
	s6 =	sadd.s32 @!p0 $0x88, s6;
	s7 =	simm.s32 @p2 $0x1082  }
0x22: {  	[simem:s7], [sflag:s8] =	dma.local @!p0 [hbm:s6], $0xF7A  }
0x23: {  	s9 =	sor.u32 $0xD0000000, s2;
	s6 =	simm.s32 $0x108;
	_ =	swait.ge @!p0 [sflag:s8], $0x0  }
0x24: {  	s3 =	sadd.s32 $0x88, s3;
	s6 =	simm.s32 @!p1 $0x1082;
	[sflag:s4] =	ssyncset.s32 $0xFFFFF086  }
0x25: {  	[simem:s6], [sflag:s4] =	dma.local [hbm:s3], $0xF7A  }
0x26: {  	[smem:$0x3F9B] =	sst s1;
	(tag) =	ssettag s2;
	_ =	strace s9  }
0x27: {  	s1 =	sld [smem:$0x3FAB]  }
0x28: {  	s2 =	sld [smem:$0x3FAC]  }
0x29: {  	s4 =	sld [smem:$0x3FAE]  }
0x2a: {  	p0 =	seq.s32 s5, $0x0;
	s5 =	sld [smem:$0x3FAF]  }
0x2b: {  	s6 =	sld [smem:$0x3FB0]  }
0x2c: {  	s7 =	sld [smem:$0x3FB1]  }
0x2d: {  	s3 =	simm.s32 $0x108;
	s8 =	sld [smem:$0x3FB2]  }
0x2e: {  	s3 =	simm.s32 @!p0 $0x1082;
	s9 =	sld [smem:$0x3FB3]  }
0x2f: {  	lr =	sadd.s32 s0, s3;
	s0 =	sld [smem:$0x3FAA]  }
0x30: {  	s3 =	sld [smem:$0x3FAD]  }
0x31: {  	[smem:$0x3FB6] =	sst s10  }
0x32: {  	s10 =	sld [smem:$0x3FB4];
	_ =	sdelay $0x3  }
0x33: {  	p0 =	seq.s32 s10, $0x1;
	s10 =	sld [smem:$0x3FB6];
	_ =	sdelay $0x3  }
0x34: {  	[smem:$0x3FB6] =	sst s10  }
0x35: {  	s10 =	sld [smem:$0x3FB5];
	_ =	sdelay $0x3  }
0x36: {  	p1 =	seq.s32 s10, $0x1;
	s10 =	sld [smem:$0x3FB6];
	_ =	sdelay $0x3  }
0x37: {  	[smem:$0x3FB6] =	sst s10  }
0x38: {  	s10 =	sld [smem:$0x3FB7]  }
0x39: {  	_ = 	snop;
	(pc) =	sbr.ind lr, $3  }
0x3a: {  	_ = 	snop  }
0x3b: {  	_ = 	snop  }
0x3c: {  	p2 =	seq.s32 s10, $0x1;
	s10 =	sld [smem:$0x3FB6]  }
0x3d: {  	_ =	shalt  }
0x3e: {  	_ =	shalt  }
0x3f: {  	_ =	shalt  }
0x40: {  	_ =	shalt  }
0x41: {  	_ =	shalt  }
0x42: {  	_ =	shalt  }
0x43: {  	_ =	shalt  }
0x44: {  	_ =	shalt  }
0x45: {  	_ =	shalt  }
0x46: {  	_ =	shalt  }
0x47: {  	_ =	shalt  }
0x48: {  	_ =	shalt  }
0x49: {  	_ =	shalt  }
0x4a: {  	_ =	shalt  }
0x4b: {  	_ =	shalt  }
0x4c: {  	_ =	shalt  }
0x4d: {  	_ =	shalt  }
0x4e: {  	_ =	shalt  }
0x4f: {  	_ =	shalt  }
0x50: {  	_ =	shalt  }
0x51: {  	_ =	shalt  }
0x52: {  	_ =	shalt  }
0x53: {  	_ =	shalt  }
0x54: {  	_ =	shalt  }
0x55: {  	_ =	shalt  }
0x56: {  	_ =	shalt  }
0x57: {  	_ =	shalt  }
0x58: {  	_ =	shalt  }
0x59: {  	_ =	shalt  }
0x5a: {  	_ =	shalt  }
0x5b: {  	_ =	shalt  }
0x5c: {  	_ =	shalt  }
0x5d: {  	_ =	shalt  }
0x5e: {  	_ =	shalt  }
0x5f: {  	_ =	shalt  }
0x60: {  	_ =	shalt  }
0x61: {  	_ =	shalt  }
0x62: {  	_ =	shalt  }
0x63: {  	_ =	shalt  }
0x64: {  	_ =	shalt  }
0x65: {  	_ =	shalt  }
0x66: {  	_ =	shalt  }
0x67: {  	_ =	shalt  }
0x68: {  	_ =	shalt  }
0x69: {  	_ =	shalt  }
0x6a: {  	_ =	shalt  }
0x6b: {  	_ =	shalt  }
0x6c: {  	_ =	shalt  }
0x6d: {  	_ =	shalt  }
0x6e: {  	_ =	shalt  }
0x6f: {  	_ =	shalt  }
0x70: {  	_ =	shalt  }
0x71: {  	_ =	shalt  }
0x72: {  	_ =	shalt  }
0x73: {  	_ =	shalt  }
0x74: {  	_ =	shalt  }
0x75: {  	_ =	shalt  }
0x76: {  	_ =	shalt  }
0x77: {  	_ =	shalt  }
0x78: {  	_ =	shalt  }
0x79: {  	_ =	shalt  }
0x7a: {  	_ =	shalt  }
0x7b: {  	_ =	shalt  }
0x7c: {  	_ =	shalt  }
0x7d: {  	_ =	shalt  }
0x7e: {  	_ =	shalt  }
0x7f: {  	_ =	shalt  }
0x80: {  	_ =	shalt  }
0x81: {  	_ =	shalt  }
0x82: {  	_ =	shalt  }
0x83: {  	_ =	shalt  }
0x84: {  	_ =	shalt  }
0x85: {  	_ =	shalt  }
0x86: {  	_ =	shalt  }
0x87: {  	_ =	shalt  }
.Lfunc_end0:
.L_simem_size_0:
called_computation_lowered:
.L_overlay_start_0:
0x88: {  	s2 =	sld [smem:$0x3FD9]  }
0x89: {  	s3 =	sld [smem:$0x3FFE];
	_ =	sdelay $0x1  }
0x8a: {  	s1 =	srdreg.scid  }
0x8b: {  	s0 =	sand.u32 $0x1, s1  }
0x8c: {  	s17 =	sshll.u32 s0, $0xA;
	s2 =	sadd.s32 s3, s2  }
0x8d: {  	s2 =	sadd.s32 s2, s17  }
0x8e: {  	[smem:$0x3FC2] =	sst s2  }
0x8f: {  	_ = 	snop  }
0x90: {  	s2 =	sld [smem:$0x3FD0];
	(tm) =	ssettm $0x1  }
0x91: {  	s18 =	sld [smem:$0x3FFB];
	_ =	sdelay $0x3  }
0x92: {  	_ =	strace s18  }
0x93: {  	s3 =	sld [smem:$0x3FFC];
	_ =	sdelay $0x3  }
0x94: {  	_ =	strace s3  }
0x95: {  	s3 =	sld [smem:$0x3FFD];
	_ =	sdelay $0x3  }
0x96: {  	_ =	strace s3  }
0x97: {  	_ =	strace $0x8FFFFFFF  }
0x98: {  	s19 =	sld [smem:$0x3FDB];
	_ =	sdelay $0x1  }
0x99: {  	s4 =	simm.s32 $_scs_section_size  }
0x9a: {  	s5 =	simm.s32 $_size__tile_overlayer_lowered;
	s6 =	simm.s32 $_tile_overlayer_lowered  }
0x9b: {  	s22 =	simm.s32 $0x1BFF;
	s21 =	sshll.u32 s6, $0x1;
	s3 =	sadd.s32 s4, s19  }
0x9c: {  	s7 =	simm.s32 $0x0;
	s20 =	sshll.u32 s5, $0x1;
	s5 =	sadd.s32 s21, s3  }
0x9d: {  	[timem:s7], [sflag:s22] =	dma.local [hbm:s5], s20  }
0x9e: {  	_ =	swait.ge [sflag:s22], s20  }
0x9f: {  	s4 =	ssub.s32 $0x0, s20;
	[sflag:s22] =	ssyncset.done $0x0  }
0xa0: {  	[sflag:s22] =	ssyncadd.s32 s4;
	_ =	sdelay $0x1  }
0xa1: {  	s23 =	simm.s32 $0x1B8B  }
0xa2: {  	_ =	swait.ge [sflag:s23], $0x1  }
0xa3: {  	[sflag:s23] =	ssyncset.done $0x0  }
0xa4: {  	s25 =	simm.s32 $0x1B8E;
	s24 =	sld [smem:$0x3FFE];
	[sflag:s23] =	ssyncadd.s32 $0xFFFFFFFF  }
0xa5: {  	s26 =	simm.s32 $execute0_lowered;
	[smem:$0x3FD2] =	sst s25  }
0xa6: {  	s5 =	sshll.u32 s26, $0x1;
	_ =	strace $0x80000046;
	[dreg:$0x1] =	wrdreg $0xFFFFFFFF  }
0xa7: {  	s28 =	simm.s32 $_size_execute0_lowered;
	s3 =	sadd.s32 s3, s5;
	[dreg:$0x0] =	wrdreg $0x0  }
0xa8: {  	s5 =	sshll.u32 s28, $0x1;
	[dreg:$0x2] =	wrdreg s3  }
0xa9: {  	[dreg:$0x3] =	wrdreg s5  }
0xaa: {  	[dreg:$0x4] =	wrdreg $0xC0  }
0xab: {  	_ =	task [dreg:s7], $0x5FFFF  }
0xac: {  	[dreg:$0x1] =	wrdreg $0xFFFFFFFF  }
0xad: {  	[dreg:$0x0] =	wrdreg $0x60  }
0xae: {  	[dreg:$0x2] =	wrdreg s2  }
0xaf: {  	[dreg:$0x3] =	wrdreg s24  }
0xb0: {  	[dreg:$0x4] =	wrdreg $0x9  }
0xb1: {  	_ =	task.clear_ibuf [dreg:s7], $0x5FFFF;
	_ =	strace $0x90000046  }
0xb2: {  	s29 =	simm.s32 $0x9;
	_ =	strace $0x80000048  }
0xb3: {  	_ =	swait.ge [sflag:s29], $0x1  }
0xb4: {  	[sflag:s29] =	ssyncadd.s32 $0xFFFFFFFF  }
0xb5: {  	_ =	strace $0x90000048  }
0xb6: {  	_ =	sfence  }
0xb7: {  	s30 =	sld [smem:$0x0];
	_ =	sdelay $0x2  }
0xb8: {  	s31 =	sshll.u32 s1, $0xD;
	s1 =	sshrl.u32 s1, $0x2  }
0xb9: {  	s3 =	sand.u32 $0x4000, s31;
	s1 =	sadd.s32 s1, s30  }
0xba: {  	s0 =	sor.u32 s3, s0;
	s1 =	sshll.u32 s1, $0x11  }
0xbb: {  	s0 =	sor.u32 s1, s0  }
0xbc: {  	s0 =	sadd.s32 $0x8F2B, s0  }
0xbd: {  	[sflag:s0] =	ssyncadd.remote.s32 $0x1  }
0xbe: {  	_ =	sfence.sel $0xFFFF  }
0xbf: {  	[dreg:$0x0] =	wrdreg $0xFFFFFFFF;
	(pc) =	sbr.abs _section_cstart, $3  }
0xc0: {  	[dreg:$0x1] =	wrdreg $0xFFFFFFFF  }
0xc1: {  	_ =	task.clear_ibuf [dreg:s7], $0x2FFFF;
	_ =	strace $0x9FFFFFFF  }
0xc2: {  	(tm) =	ssettm $0x7FFFFFFF  }
0xc3: {  	_ =	shalt  }
tec
execute0_lowered:
.L_overlay_start_1:
0x0: {  	(tag) =	ssettag $0x1  }
0x1: {  	s3 =	rddreg [dreg:$0x0]  }
0x2: {  	s5 =	rddreg [dreg:$0x1];
	s2 =	srdreg.scid  }
0x3: {  	s0 =	rddreg [dreg:$0x2];
	s1 =	stileid.u32;
	s8 =	sand.u32 $0x1, s2  }
0x4: {  	s2 =	simm.s32 $0x0;
	s4 =	sshll.u32 s1, $0x2;
	s6 =	sshll.u32 s8, $0x1  }
0x5: {  	[smem:$0x7FF] =	sst s2;
	s6 =	sor.u32 s6, s4  }
0x6: {  	_ =	strace $0x80000047;
	s4 =	sadd.s32 s3, s6;
	s3 =	simm.s32 $0x1  }
0x7: {  	[tilespmem:s2], [sflag:$0x1] =	stream.linear.gather [hbm4b:s4+s2], $0x10, $0x38;
	[tilespmem:$0x200] =	vst v63  }
0x8: {  	_ =	swait.ge [sflag:s3], $0x10  }
0x9: {  	v0 =	vimm.s32 $0xEFCDAB89;
	v1 =	vimm.s32 $0x67452301;
	s9 =	sadd.s32 s6, s5;
	[sflag:s3] =	ssyncset.done $0x0  }
0xa: {  	v0 =	vunpack.c.l.s4.s8 v0;
	v1 =	vunpack.c.l.s4.s8 v1;
	s6 =	simm.s32 $0x80;
	s5 =	sadd.s32 $0xC00, s9;
	[sflag:s3] =	ssyncadd.s32 $0xFFFFFFF0  }
0xb: {  	[tilespmem:s6], [sflag:$0x1] =	stream.linear.gather [hbm4b:s5+s2], $0x10, $0x38;
	[tilespmem:$0x200] =	vst v63  }
0xc: {  	v0 =	vunpack.c.0.s8.s32 v0;
	v1 =	vunpack.c.0.s8.s32 v1;
	_ =	swait.ge [sflag:s3], $0x10  }
0xd: {  	[sflag:s3] =	ssyncset.done $0x0  }
0xe: {  	v0 =	vcombine.low v1, v0;
	[sflag:s3] =	ssyncadd.s32 $0xFFFFFFF0  }
0xf: {  	v5 =	vld [tilespmem:$0x80]  }
0x10: {  	v2 =	vimm.s32 $0x54761032;
	v1 =	vimm.s32 $0xDCFE98BA;
	v0 =	vand.u32 $0xF, v0  }
0x11: {  	v2 =	vunpack.c.l.s4.s8 v2;
	v1 =	vunpack.c.l.s4.s8 v1;
	_ =	sdelay $0x1  }
0x12: {  	v2 =	vunpack.c.0.s8.s32 v2;
	v1 =	vunpack.c.0.s8.s32 v1  }
0x13: {  	s7 =	simm.s32 $0x180;
	[tilespmem:$0x180] =	vst v5  }
0x14: {  	v1 =	vcombine.low v2, v1;
	v2 =	vld.idx.msk [tilespmem:v0+s7+$0x0], $0xffff;
	_ =	sdelay $0x1  }
0x15: {  	v3 =	vimm.s32 $0xBA98FEDC;
	v4 =	vimm.s32 $0x32107654;
	v1 =	vand.u32 $0xF, v1  }
0x16: {  	v3 =	vunpack.c.l.s4.s8 v3;
	v4 =	vunpack.c.l.s4.s8 v4;
	_ =	sdelay $0x1  }
0x17: {  	v3 =	vunpack.c.0.s8.s32 v3;
	v4 =	vunpack.c.0.s8.s32 v4;
	v6 =	vmax.f32 v5, v2  }
0x18: {  	[tilespmem:$0x180] =	vst v6  }
0x19: {  	v2 =	vcombine.low v4, v3;
	v3 =	vld.idx.msk [tilespmem:v1+s7+$0x0], $0xffff;
	_ =	sdelay $0x1  }
0x1a: {  	v4 =	vimm.s32 $0xFEDCBA98;
	v2 =	vand.u32 $0xF, v2  }
0x1b: {  	v7 =	vimm.s32 $0x76543210;
	v4 =	vunpack.c.l.s4.s8 v4  }
0x1c: {  	v8 =	vimm.f32 $1.500000000e+01;
	v7 =	vunpack.c.l.s4.s8 v7  }
0x1d: {  	vm0 =	vcmask $0x300;
	v4 =	vunpack.c.0.s8.s32 v4;
	v6 =	vmax.f32 v6, v3  }
0x1e: {  	vm11 =	vcmask $0x704;
	v3 =	vunpack.c.0.s8.s32 v7;
	v7 =	vsel vm0, $0x0, v8;
	[tilespmem:$0x180] =	vst v6  }
0x1f: {  	vm12 =	vcmask $0xB08;
	v4 =	vand.u32 $0xF, v4;
	v7 =	vsel vm11, $0x3F800000, v7;
	v63 =	vld.idx.msk [tilespmem:v2+s7+$0x0], $0xffff  }
0x20: {  	vm13 =	vcmask $0xF0C;
	v3 =	vcombine.low v4, v3;
	v4 =	vsel vm12, $0x40000000, v7  }
0x21: {  	vm14 =	vcmask $0x1310;
	v4 =	vsel vm13, $0x40400000, v4  }
0x22: {  	vm15 =	vcmask $0x1714;
	v4 =	vsel vm14, $0x40800000, v4  }
0x23: {  	vm4 =	vcmask $0x1B18;
	v4 =	vsel vm15, $0x40A00000, v4  }
0x24: {  	vm5 =	vcmask $0x1F1C;
	v4 =	vsel vm4, $0x40C00000, v4;
	v6 =	vmax.f32 v6, v63  }
0x25: {  	vm6 =	vcmask $0x2320;
	v4 =	vsel vm5, $0x40E00000, v4;
	[tilespmem:$0x180] =	vst v6  }
0x26: {  	vm7 =	vcmask $0x2724;
	v4 =	vsel vm6, $0x41000000, v4;
	v7 =	vld.idx.msk [tilespmem:v3+s7+$0x0], $0xffff  }
0x27: {  	vm8 =	vcmask $0x2B28;
	v4 =	vsel vm7, $0x41100000, v4  }
0x28: {  	vm9 =	vcmask $0x2F2C;
	v4 =	vsel vm8, $0x41200000, v4  }
0x29: {  	vm10 =	vcmask $0x3330;
	v4 =	vsel vm9, $0x41300000, v4  }
0x2a: {  	vm11 =	vcmask $0x3734;
	v4 =	vsel vm10, $0x41400000, v4  }
0x2b: {  	vm12 =	vcmask $0x3B38;
	v4 =	vsel vm11, $0x41500000, v4;
	v6 =	vmax.f32 v6, v7  }
0x2c: {  	v4 =	vsel vm12, $0x41600000, v4;
	vm13 =	veq.f32 v5, v6  }
0x2d: {  	v6 =	vnsel vm13, $0x41800000, v4  }
0x2e: {  	[tilespmem:$0x180] =	vst v6  }
0x2f: {  	v7 =	vld.idx.msk [tilespmem:v0+s7+$0x0], $0xffff;
	_ =	sdelay $0x4  }
0x30: {  	v6 =	vmin.f32 v6, v7  }
0x31: {  	[tilespmem:$0x180] =	vst v6  }
0x32: {  	v7 =	vld.idx.msk [tilespmem:v1+s7+$0x0], $0xffff;
	_ =	sdelay $0x4  }
0x33: {  	v6 =	vmin.f32 v6, v7  }
0x34: {  	[tilespmem:$0x180] =	vst v6  }
0x35: {  	v7 =	vld.idx.msk [tilespmem:v2+s7+$0x0], $0xffff;
	_ =	sdelay $0x4  }
0x36: {  	v6 =	vmin.f32 v6, v7  }
0x37: {  	[tilespmem:$0x180] =	vst v6  }
0x38: {  	v7 =	vld.idx.msk [tilespmem:v3+s7+$0x0], $0xffff;
	_ =	sdelay $0x4  }
0x39: {  	v6 =	vmin.f32 v6, v7  }
0x3a: {  	vm14 =	veq.f32 v6, v4  }
0x3b: {  	v5 =	vsel vm14, $0xFF800000, v5  }
0x3c: {  	[tilespmem:$0x180] =	vst v5  }
0x3d: {  	v6 =	vld.idx.msk [tilespmem:v0+s7+$0x0], $0xffff;
	_ =	sdelay $0x4  }
0x3e: {  	v6 =	vmax.f32 v5, v6  }
0x3f: {  	[tilespmem:$0x180] =	vst v6  }
0x40: {  	v7 =	vld.idx.msk [tilespmem:v1+s7+$0x0], $0xffff;
	_ =	sdelay $0x4  }
0x41: {  	v6 =	vmax.f32 v6, v7  }
0x42: {  	[tilespmem:$0x180] =	vst v6  }
0x43: {  	v7 =	vld.idx.msk [tilespmem:v2+s7+$0x0], $0xffff;
	_ =	sdelay $0x4  }
0x44: {  	v6 =	vmax.f32 v6, v7  }
0x45: {  	[tilespmem:$0x180] =	vst v6  }
0x46: {  	v7 =	vld.idx.msk [tilespmem:v3+s7+$0x0], $0xffff;
	_ =	sdelay $0x4  }
0x47: {  	v6 =	vmax.f32 v6, v7  }
0x48: {  	vm1 =	veq.f32 v5, v6  }
0x49: {  	v5 =	vnsel vm1, $0x41800000, v4  }
0x4a: {  	[tilespmem:$0x180] =	vst v5  }
0x4b: {  	v6 =	vld.idx.msk [tilespmem:v0+s7+$0x0], $0xffff;
	_ =	sdelay $0x4  }
0x4c: {  	v5 =	vmin.f32 v5, v6  }
0x4d: {  	[tilespmem:$0x180] =	vst v5  }
0x4e: {  	v6 =	vld.idx.msk [tilespmem:v1+s7+$0x0], $0xffff;
	_ =	sdelay $0x4  }
0x4f: {  	v5 =	vmin.f32 v5, v6  }
0x50: {  	[tilespmem:$0x180] =	vst v5  }
0x51: {  	v6 =	vld.idx.msk [tilespmem:v2+s7+$0x0], $0xffff;
	_ =	sdelay $0x4  }
0x52: {  	v5 =	vmin.f32 v5, v6  }
0x53: {  	[tilespmem:$0x180] =	vst v5  }
0x54: {  	v6 =	vld.idx.msk [tilespmem:v3+s7+$0x0], $0xffff;
	_ =	sdelay $0x2  }
0x55: {  	s8 =	ssub.s32 $0x2, s8;
	v7 =	vld [tilespmem:$0x0]  }
0x56: {  	s10 =	sshrl.u32 s8, $0x1  }
0x57: {  	s10 =	ssub.s32 s8, s10;
	v5 =	vmin.f32 v5, v6  }
0x58: {  	s10 =	smax.u32 s10, $0x1;
	vm15 =	veq.f32 v5, v4  }
0x59: {  	p0 =	sne.s32 s10, $0x1;
	vm0 =	vmor vm14, vm15  }
.Ltmp0:
0x5a: {  	v5 =	vnsel vm0, $0x0, v7;
	(pc) =	sbr.rel @!p0 .LBB2_2-.Ltmp0, $4  }
0x5b: {  	s8 =	sadd.s32 $0xE00, s9;
	s9 =	simm.s32 $0x100;
	[tilespmem:$0x100] =	vst v5  }
0x5c: {  	[hbm4b:s8+s2] =	stream.linear.scatter [tilespmem:s9], [sflag:$0x1], $0x10, $0x38;
	[tilespmem:$0x200] =	vst v63  }
0x5d: {  	_ =	swait.ge [sflag:s3], $0x10  }
0x5e: {  	s10 =	sadd.s32 $0xFFFFFFFF, s10;
	[sflag:s3] =	ssyncset.done $0x0  }
.LBB2_1:
0x5f: {  	p0 =	sne.s32 s10, $0x1;
	s10 =	sadd.s32 $0xFFFFFFFF, s10;
	[sflag:s3] =	ssyncadd.s32 $0xFFFFFFF0  }
0x60: {  	[tilespmem:s2], [sflag:$0x1] =	stream.linear.gather [hbm4b:s4+s2], $0x10, $0x38;
	[tilespmem:$0x200] =	vst v63  }
0x61: {  	_ =	swait.ge [sflag:s3], $0x10  }
0x62: {  	[sflag:s3] =	ssyncset.done $0x0  }
0x63: {  	[sflag:s3] =	ssyncadd.s32 $0xFFFFFFF0  }
0x64: {  	[tilespmem:s6], [sflag:$0x1] =	stream.linear.gather [hbm4b:s5+s2], $0x10, $0x38;
	[tilespmem:$0x200] =	vst v63  }
0x65: {  	_ =	swait.ge [sflag:s3], $0x10  }
0x66: {  	[sflag:s3] =	ssyncset.done $0x0  }
0x67: {  	[sflag:s3] =	ssyncadd.s32 $0xFFFFFFF0  }
0x68: {  	v5 =	vld [tilespmem:$0x80];
	_ =	sdelay $0x4  }
0x69: {  	[tilespmem:$0x180] =	vst v5  }
0x6a: {  	v6 =	vld.idx.msk [tilespmem:v0+s7+$0x0], $0xffff;
	_ =	sdelay $0x5  }
0x6b: {  	v6 =	vmax.f32 v5, v6  }
0x6c: {  	[tilespmem:$0x180] =	vst v6  }
0x6d: {  	v7 =	vld.idx.msk [tilespmem:v1+s7+$0x0], $0xffff;
	_ =	sdelay $0x5  }
0x6e: {  	v6 =	vmax.f32 v6, v7  }
0x6f: {  	[tilespmem:$0x180] =	vst v6  }
0x70: {  	v7 =	vld.idx.msk [tilespmem:v2+s7+$0x0], $0xffff;
	_ =	sdelay $0x5  }
0x71: {  	v6 =	vmax.f32 v6, v7  }
0x72: {  	[tilespmem:$0x180] =	vst v6  }
0x73: {  	v7 =	vld.idx.msk [tilespmem:v3+s7+$0x0], $0xffff;
	_ =	sdelay $0x5  }
0x74: {  	v6 =	vmax.f32 v6, v7  }
0x75: {  	vm0 =	veq.f32 v5, v6  }
0x76: {  	v6 =	vnsel vm0, $0x41800000, v4  }
0x77: {  	[tilespmem:$0x180] =	vst v6  }
0x78: {  	v7 =	vld.idx.msk [tilespmem:v0+s7+$0x0], $0xffff;
	_ =	sdelay $0x5  }
0x79: {  	v6 =	vmin.f32 v6, v7  }
0x7a: {  	[tilespmem:$0x180] =	vst v6  }
0x7b: {  	v7 =	vld.idx.msk [tilespmem:v1+s7+$0x0], $0xffff;
	_ =	sdelay $0x5  }
0x7c: {  	v6 =	vmin.f32 v6, v7  }
0x7d: {  	[tilespmem:$0x180] =	vst v6  }
0x7e: {  	v7 =	vld.idx.msk [tilespmem:v2+s7+$0x0], $0xffff;
	_ =	sdelay $0x5  }
0x7f: {  	v6 =	vmin.f32 v6, v7  }
0x80: {  	[tilespmem:$0x180] =	vst v6  }
0x81: {  	v7 =	vld.idx.msk [tilespmem:v3+s7+$0x0], $0xffff;
	_ =	sdelay $0x5  }
0x82: {  	v6 =	vmin.f32 v6, v7  }
0x83: {  	vm0 =	veq.f32 v6, v4  }
0x84: {  	v5 =	vsel vm0, $0xFF800000, v5  }
0x85: {  	[tilespmem:$0x180] =	vst v5  }
0x86: {  	v6 =	vld.idx.msk [tilespmem:v0+s7+$0x0], $0xffff;
	_ =	sdelay $0x5  }
0x87: {  	v6 =	vmax.f32 v5, v6  }
0x88: {  	[tilespmem:$0x180] =	vst v6  }
0x89: {  	v7 =	vld.idx.msk [tilespmem:v1+s7+$0x0], $0xffff;
	_ =	sdelay $0x5  }
0x8a: {  	v6 =	vmax.f32 v6, v7  }
0x8b: {  	[tilespmem:$0x180] =	vst v6  }
0x8c: {  	v7 =	vld.idx.msk [tilespmem:v2+s7+$0x0], $0xffff;
	_ =	sdelay $0x5  }
0x8d: {  	v6 =	vmax.f32 v6, v7  }
0x8e: {  	[tilespmem:$0x180] =	vst v6  }
0x8f: {  	v7 =	vld.idx.msk [tilespmem:v3+s7+$0x0], $0xffff;
	_ =	sdelay $0x5  }
0x90: {  	v6 =	vmax.f32 v6, v7  }
0x91: {  	vm1 =	veq.f32 v5, v6  }
0x92: {  	v5 =	vnsel vm1, $0x41800000, v4  }
0x93: {  	[tilespmem:$0x180] =	vst v5  }
0x94: {  	v6 =	vld.idx.msk [tilespmem:v0+s7+$0x0], $0xffff;
	_ =	sdelay $0x5  }
0x95: {  	v5 =	vmin.f32 v5, v6  }
0x96: {  	[tilespmem:$0x180] =	vst v5  }
0x97: {  	v6 =	vld.idx.msk [tilespmem:v1+s7+$0x0], $0xffff;
	_ =	sdelay $0x5  }
0x98: {  	v5 =	vmin.f32 v5, v6  }
0x99: {  	[tilespmem:$0x180] =	vst v5  }
0x9a: {  	v6 =	vld.idx.msk [tilespmem:v2+s7+$0x0], $0xffff;
	_ =	sdelay $0x5  }
0x9b: {  	v5 =	vmin.f32 v5, v6  }
0x9c: {  	[tilespmem:$0x180] =	vst v5  }
0x9d: {  	v6 =	vld.idx.msk [tilespmem:v3+s7+$0x0], $0xffff;
	_ =	sdelay $0x3  }
0x9e: {  	v7 =	vld [tilespmem:$0x0];
	_ =	sdelay $0x1  }
0x9f: {  	v5 =	vmin.f32 v5, v6  }
0xa0: {  	vm1 =	veq.f32 v5, v4  }
0xa1: {  	vm0 =	vmor vm0, vm1  }
.Ltmp1:
0xa2: {  	v5 =	vnsel vm0, $0x0, v7;
	(pc) =	sbr.rel @p0 .LBB2_1-.Ltmp1, $4  }
0xa3: {  	[tilespmem:$0x100] =	vst v5  }
0xa4: {  	[hbm4b:s8+s2] =	stream.linear.scatter [tilespmem:s9], [sflag:$0x1], $0x10, $0x38;
	[tilespmem:$0x200] =	vst v63  }
0xa5: {  	_ =	swait.ge [sflag:s3], $0x10  }
0xa6: {  	[sflag:s3] =	ssyncset.done $0x0  }
.LBB2_2:
0xa7: {  	[sflag:s3] =	ssyncadd.s32 $0xFFFFFFF0  }
0xa8: {  	_ =	sfence.sel $0x180000  }
0xa9: {  	[bflag:$0x0] =	sbarrier.arrive $0xFFFF  }
0xaa: {  	p0 =	sne.s32 s1, $0x0;
	_ =	strace $0x90000047  }
0xab: {  	s0 =	sadd.s32 @!p0 $0x100000, s0;
	[bflag:$0x2] =	sbarrier.arrive $0xFFFF  }
0xac: {  	[sflag:s0] =	ssyncadd.tile.s32 @!p0 $0x1;
	_ =	shalt  }
.Lfunc_end2:
_tile_overlayer_lowered:
.L_overlay_start_2:
0xad: {  	(tag) =	ssettag $0x2  }
0xae: {  	s0 =	rddreg [dreg:$0x0];
	s2 =	stileid.u32  }
0xaf: {  	s1 =	rddreg [dreg:$0x1];
	p0 =	sne.s32 s2, $0x0  }
0xb0: {  	s3 =	rddreg [dreg:$0x2];
	[bflag:$0x3] =	sbarrier.arrive $0xFFFF;
	s2 =	simm.s32 @!p0 $0x1C01  }
0xb1: {  	[timem:s3], [sflag:s2] =	dma.local @!p0 [hbm:s0], s1  }
0xb2: {  	s0 =	simm.s32 @!p0 $0x1  }
0xb3: {  	_ =	swait.ge @!p0 [sflag:s0], s1  }
0xb4: {  	s1 =	ssub.s32 @!p0 $0x0, s1;
	[sflag:s0] =	ssyncset.done @!p0 $0x0  }
0xb5: {  	[sflag:s0] =	ssyncadd.s32 @!p0 s1  }
0xb6: {  	[bflag:$0x3] =	sbarrier.arrive $0xFFFF  }
0xb7: {  	_ =	shalt  }

</sc_bundles>
